<compile_context>
chip_gen: v7x
topology: tpu7x:2x2x1
jax: 0.10.2.dev20260603
libtpu: 0.0.44.dev20260713+nightly
codegen_flags: <defaults>
</compile_context>

<pallas_src>
import functools

import jax
import jax.numpy as jnp
from jax import lax
from jax.experimental import pallas as pl
from jax.experimental.pallas import tpu as pltpu
from jax.experimental.pallas import tpu_sc as plsc

N = 10000
E = 160000
D = 256
H = 256
G = 64
L = 3
HC = H * L
HHALF = 128

NC = 2
NS = 16
NPAD = 10240
ROWS_PER_TILE = NPAD // NS
EDGES_PER_SUB = E // NS
CHUNK = 128
NFULL = EDGES_PER_SUB // CHUNK
TAIL = EDGES_PER_SUB - NFULL * CHUNK

BLK = 1000


def _sc_agg_body(z2, src_h, dst_h, zeros_h, out,
                 acc, src_v, gidx_v, dst_v, rows_v,
                 src_t, gidx_t, dst_t, rows_t, sem, semd, sems):
    c = lax.axis_index("c")
    s = lax.axis_index("s")
    row0 = s * ROWS_PER_TILE
    pltpu.sync_copy(zeros_h.at[pl.ds(row0, ROWS_PER_TILE)],
                    acc.at[pl.ds(row0, ROWS_PER_TILE)])
    plsc.subcore_barrier()

    base0 = s * EDGES_PER_SUB
    pltpu.sync_copy(src_h.at[pl.ds(base0, CHUNK)], src_v)

    def chunk(j, carry):
        base = base0 + j * CHUNK

        @pl.when(j > 0)
        def _():
            pltpu.make_async_copy(src_h.at[pl.ds(base, CHUNK)], src_v,
                                  sems).wait()

        pltpu.async_copy(dst_h.at[pl.ds(base, CHUNK)], dst_v, semd)
        for i in range(CHUNK // 16):
            sl = pl.ds(i * 16, 16)
            gidx_v[sl] = src_v[sl] * 2 + c

        @pl.when(j + 1 < NFULL)
        def _():
            pltpu.async_copy(src_h.at[pl.ds(base + CHUNK, CHUNK)], src_v,
                             sems)

        pltpu.async_copy(z2.at[gidx_v], rows_v, sem).wait()
        pltpu.make_async_copy(dst_h.at[pl.ds(base, CHUNK)], dst_v,
                              semd).wait()
        pltpu.sync_copy(rows_v, acc.at[dst_v], add=True)
        return carry

    lax.fori_loop(0, NFULL, chunk, 0)

    base = base0 + NFULL * CHUNK
    pltpu.sync_copy(src_h.at[pl.ds(base, TAIL)], src_t)
    gidx_t[...] = src_t[...] * 2 + c
    pltpu.async_copy(z2.at[gidx_t], rows_t, sem).wait()
    pltpu.sync_copy(dst_h.at[pl.ds(base, TAIL)], dst_t)
    pltpu.sync_copy(rows_t, acc.at[dst_t], add=True)

    plsc.subcore_barrier()

    pltpu.sync_copy(acc.at[pl.ds(row0, ROWS_PER_TILE)],
                    out.at[c, pl.ds(row0, ROWS_PER_TILE)])


@functools.lru_cache(maxsize=None)
def _sc_agg_kernel():
    return pl.kernel(
        _sc_agg_body,
        out_type=jax.ShapeDtypeStruct((NC, NPAD, HHALF), jnp.float32),
        mesh=plsc.VectorSubcoreMesh(core_axis_name="c", subcore_axis_name="s",
                                    num_cores=NC, num_subcores=NS),
        scratch_types=[
            pltpu.VMEM_SHARED((NPAD, HHALF), jnp.float32),
            pltpu.VMEM((CHUNK,), jnp.int32),
            pltpu.VMEM((CHUNK,), jnp.int32),
            pltpu.VMEM((CHUNK,), jnp.int32),
            pltpu.VMEM((CHUNK, HHALF), jnp.float32),
            pltpu.VMEM((TAIL,), jnp.int32),
            pltpu.VMEM((TAIL,), jnp.int32),
            pltpu.VMEM((TAIL,), jnp.int32),
            pltpu.VMEM((TAIL, HHALF), jnp.float32),
            pltpu.SemaphoreType.DMA,
            pltpu.SemaphoreType.DMA,
            pltpu.SemaphoreType.DMA,
        ],
    )


def _mlp3_body(z_ref, lo_ref, hi_ref, w1_ref, b1_ref,
               w20_ref, w21_ref, w22_ref, b2_ref, h_ref, st_ref):
    i = pl.program_id(0)
    u = z_ref[...] + jnp.concatenate([lo_ref[...], hi_ref[...]], axis=1)
    t = jnp.maximum(
        jnp.dot(u, w1_ref[...], preferred_element_type=jnp.float32)
        + b1_ref[...], 0.0)
    hs = []
    for li, w2_ref in enumerate((w20_ref, w21_ref, w22_ref)):
        ti = t[:, li * H:(li + 1) * H]
        hs.append(jnp.maximum(
            jnp.dot(ti, w2_ref[...], preferred_element_type=jnp.float32)
            + b2_ref[:, li * H:(li + 1) * H], 0.0))
    h = jnp.concatenate(hs, axis=1)
    h_ref[...] = h

    @pl.when(i == 0)
    def _():
        st_ref[...] = jnp.zeros_like(st_ref)

    st_ref[0:1, :] += jnp.sum(h, axis=0, keepdims=True)
    st_ref[1:2, :] += jnp.sum(h * h, axis=0, keepdims=True)


def _mlp3(z, agg_lo, agg_hi, w1c, b1c, w20, w21, w22, b2c):
    return pl.pallas_call(
        _mlp3_body,
        grid=(N // BLK,),
        in_specs=[
            pl.BlockSpec((BLK, D), lambda i: (i, 0)),
            pl.BlockSpec((BLK, HHALF), lambda i: (i, 0)),
            pl.BlockSpec((BLK, HHALF), lambda i: (i, 0)),
            pl.BlockSpec((D, HC), lambda i: (0, 0)),
            pl.BlockSpec((1, HC), lambda i: (0, 0)),
            pl.BlockSpec((H, H), lambda i: (0, 0)),
            pl.BlockSpec((H, H), lambda i: (0, 0)),
            pl.BlockSpec((H, H), lambda i: (0, 0)),
            pl.BlockSpec((1, HC), lambda i: (0, 0)),
        ],
        out_specs=[
            pl.BlockSpec((BLK, HC), lambda i: (i, 0)),
            pl.BlockSpec((8, HC), lambda i: (0, 0)),
        ],
        out_shape=[
            jax.ShapeDtypeStruct((N, HC), jnp.float32),
            jax.ShapeDtypeStruct((8, HC), jnp.float32),
        ],
    )(z, agg_lo, agg_hi, w1c, b1c, w20, w21, w22, b2c)


def _norm_pool_body(h_ref, st_ref, g_ref, b_ref, oh_ref, hbn_ref, pool_ref):
    i = pl.program_id(0)
    st = st_ref[...]
    mean = st[0:1, :] * (1.0 / N)
    var = st[1:2, :] * (1.0 / N) - mean * mean
    rstd = lax.rsqrt(var + 1e-5)
    hbn = (h_ref[...] - mean) * (rstd * g_ref[...]) + b_ref[...]
    hbn_ref[...] = hbn

    @pl.when(i == 0)
    def _():
        pool_ref[...] = jnp.zeros_like(pool_ref)

    pool_ref[...] += lax.dot_general(
        oh_ref[...], hbn, (((0,), (0,)), ((), ())),
        preferred_element_type=jnp.float32)


def _norm_pool(h, st, gamma, beta, onehot):
    return pl.pallas_call(
        _norm_pool_body,
        grid=(N // BLK,),
        in_specs=[
            pl.BlockSpec((BLK, HC), lambda i: (i, 0)),
            pl.BlockSpec((8, HC), lambda i: (0, 0)),
            pl.BlockSpec((1, HC), lambda i: (0, 0)),
            pl.BlockSpec((1, HC), lambda i: (0, 0)),
            pl.BlockSpec((BLK, G), lambda i: (i, 0)),
        ],
        out_specs=[
            pl.BlockSpec((BLK, HC), lambda i: (i, 0)),
            pl.BlockSpec((G, HC), lambda i: (0, 0)),
        ],
        out_shape=[
            jax.ShapeDtypeStruct((N, HC), jnp.float32),
            jax.ShapeDtypeStruct((G, HC), jnp.float32),
        ],
    )(h, st, gamma, beta, onehot)


def kernel(x, edge_index, batch, w1_0, b1_0, w2_0, b2_0, gamma_0, beta_0,
           w1_1, b1_1, w2_1, b2_1, gamma_1, beta_1,
           w1_2, b1_2, w2_2, b2_2, gamma_2, beta_2):
    src = edge_index[0]
    dst = edge_index[1]
    zeros_pad = jnp.zeros((NPAD, HHALF), jnp.float32)
    onehot = (batch[:, None] == jnp.arange(G, dtype=batch.dtype)[None, :]
              ).astype(jnp.float32)

    agg2 = _sc_agg_kernel()(x.reshape(2 * N, HHALF), src, dst, zeros_pad)

    w1c = jnp.concatenate([w1_0, w1_1, w1_2], axis=1)
    b1c = jnp.concatenate([b1_0, b1_1, b1_2]).reshape(1, HC)
    b2c = jnp.concatenate([b2_0, b2_1, b2_2]).reshape(1, HC)
    gmc = jnp.concatenate([gamma_0, gamma_1, gamma_2]).reshape(1, HC)
    btc = jnp.concatenate([beta_0, beta_1, beta_2]).reshape(1, HC)

    h_cat, st = _mlp3(x, agg2[0, :N], agg2[1, :N],
                      w1c, b1c, w2_0, w2_1, w2_2, b2c)
    z_cat, g_cat = _norm_pool(h_cat, st, gmc, btc, onehot)
    return z_cat, g_cat

# --- scband reference (transcript-rebuilt; emitter-appended) ---
"""Pipeline reference for scband-gconv-89292370084398 (READ-ONLY COPY).

The authoritative reference and input builder live on the scoring server;
editing this copy changes nothing except your own understanding.
"""

import jax, jax.numpy as jnp
import numpy as np

N = 10000
E = 160000
D = 256
H = 256
L = 3
G = 64


def setup_inputs(seed: int = 0):
    key = jax.random.key(seed)
    inp = {}
    inp["x"] = jax.random.normal(jax.random.fold_in(key, 0), (N, D), dtype=jnp.float32)
    inp["edge_index"] = jax.random.randint(jax.random.fold_in(key, 1), (2, E), 0, N, dtype=jnp.int32)
    inp["batch"] = jnp.sort(jax.random.randint(jax.random.fold_in(key, 2), (N,), 0, G, dtype=jnp.int32))
    for i in range(L):
        din = D if i == 0 else H
        inp["w1_%d" % i] = jax.random.normal(jax.random.fold_in(key, 10 + 6 * i), (din, H), dtype=jnp.float32) * (1.0 / np.sqrt(din))
        inp["b1_%d" % i] = jnp.zeros((H,), dtype=jnp.float32)
        inp["w2_%d" % i] = jax.random.normal(jax.random.fold_in(key, 12 + 6 * i), (H, H), dtype=jnp.float32) * (1.0 / np.sqrt(H))
        inp["b2_%d" % i] = jnp.zeros((H,), dtype=jnp.float32)
        inp["gamma_%d" % i] = jnp.ones((H,), dtype=jnp.float32)
        inp["beta_%d" % i] = jnp.zeros((H,), dtype=jnp.float32)
    return inp


def _gconv_forward(x, edge_index, batch, params):
    # GINConv (eps=0, train_eps=False): h = MLP((1+eps)*x + sum_{j in N(i)} x_j)
    src = edge_index[0]
    dst = edge_index[1]
    z = x
    zs = []
    for (w1, b1, w2, b2, gm, bt) in params:
        agg = jax.ops.segment_sum(z[src], dst, num_segments=N)
        h = z + agg
        h = jnp.maximum(jnp.dot(h, w1) + b1, 0.0)
        h = jnp.dot(h, w2) + b2
        h = jnp.maximum(h, 0.0)  # F.relu after conv
        # BatchNorm1d in training mode (batch statistics)
        mean = jnp.mean(h, axis=0)
        var = jnp.var(h, axis=0)
        h = (h - mean) / jnp.sqrt(var + 1e-5) * gm + bt
        zs.append(h)
    gs = [jax.ops.segment_sum(zz, batch, num_segments=G) for zz in zs]
    z_cat = jnp.concatenate(zs, axis=1)
    g_cat = jnp.concatenate(gs, axis=1)
    return (z_cat, g_cat)


def reference(x, edge_index, batch, w1_0, b1_0, w2_0, b2_0, gamma_0, beta_0, w1_1, b1_1, w2_1, b2_1, gamma_1, beta_1, w1_2, b1_2, w2_2, b2_2, gamma_2, beta_2):
    params = [
        (w1_0, b1_0, w2_0, b2_0, gamma_0, beta_0),
        (w1_1, b1_1, w2_1, b2_1, gamma_1, beta_1),
        (w1_2, b1_2, w2_2, b2_2, gamma_2, beta_2),
    ]
    return _gconv_forward(x, edge_index, batch, params)

if __name__ == "__main__":
    import jax
    _d = setup_inputs()
    print(jax.jit(kernel)(*tuple(_d.values())))

</pallas_src>

<mosaic_0001>
#map = affine_map<(d0, d1) -> (0, 0)>
#map1 = affine_map<(d0, d1) -> (0)>
#map2 = affine_map<(d0, d1) -> (0, 0, 0)>
module attributes {stable_mosaic.version = 14 : i64} {
  func.func @_sc_agg_body(%arg0: i32, %arg1: i32, %arg2: memref<20000x128xf32, #tpu.memory_space<hbm>>, %arg3: memref<160000xi32, #tpu.memory_space<hbm>>, %arg4: memref<160000xi32, #tpu.memory_space<hbm>>, %arg5: memref<10240x128xf32, #tpu.memory_space<hbm>>, %arg6: memref<2x10240x128xf32, #tpu.memory_space<hbm>>, %arg7: memref<10240x128xf32, #tpu.memory_space<vmem_shared>>, %arg8: memref<128xi32, #tpu.memory_space<vmem>>, %arg9: memref<128xi32, #tpu.memory_space<vmem>>, %arg10: memref<128xi32, #tpu.memory_space<vmem>>, %arg11: memref<128x128xf32, #tpu.memory_space<vmem>>, %arg12: memref<16xi32, #tpu.memory_space<vmem>>, %arg13: memref<16xi32, #tpu.memory_space<vmem>>, %arg14: memref<16xi32, #tpu.memory_space<vmem>>, %arg15: memref<16x128xf32, #tpu.memory_space<vmem>>, %arg16: memref<!tpu.dma_semaphore, #tpu.memory_space<semaphore_mem>>, %arg17: memref<!tpu.dma_semaphore, #tpu.memory_space<semaphore_mem>>, %arg18: memref<!tpu.dma_semaphore, #tpu.memory_space<semaphore_mem>>) attributes {dimension_semantics = [#tpu.dimension_semantics<core_parallel>, #tpu.dimension_semantics<subcore_parallel>], iteration_bounds = array<i64: 2, 16>, scalar_prefetch = 0 : i64, scratch_operands = 12 : i64, tpu.core_type = #tpu.core_type<sc_vector_subcore>, window_params = [{transform_indices = #map}, {transform_indices = #map1}, {transform_indices = #map1}, {transform_indices = #map}, {transform_indices = #map2}]} {
    %mul3A = arith.constant 640 : i32
    %mul3A_0 = arith.muli %arg1, %mul3A : i32
    "tpu.region"() ({
      %run_scoped3A = tpu.sem_alloc : memref<!tpu.dma_semaphore, #tpu.memory_space<semaphore_mem>>
      %dma_start3A_24 = arith.constant 0 : i32
      %dma_start3A_25 = tpu.memref_slice %arg7[%mul3A_0, %dma_start3A_24] : memref<10240x128xf32, #tpu.memory_space<vmem_shared>> -> memref<640x128xf32, #tpu.memory_space<vmem_shared>>
      %dma_start3A_26 = arith.constant 0 : i32
      %dma_start3A_27 = tpu.memref_slice %arg5[%mul3A_0, %dma_start3A_26] : memref<10240x128xf32, #tpu.memory_space<hbm>> -> memref<640x128xf32, #tpu.memory_space<hbm>>
      tpu.enqueue_dma source(%dma_start3A_27 : memref<640x128xf32, #tpu.memory_space<hbm>>) target(%dma_start3A_25 : memref<640x128xf32, #tpu.memory_space<vmem_shared>>) target_semaphore(%run_scoped3A : memref<!tpu.dma_semaphore, #tpu.memory_space<semaphore_mem>>)
      %dma_wait3A_28 = arith.constant 0 : i32
      %dma_wait3A_29 = tpu.memref_slice %arg7[%mul3A_0, %dma_wait3A_28] : memref<10240x128xf32, #tpu.memory_space<vmem_shared>> -> memref<640x128xf32, #tpu.memory_space<vmem_shared>>
      %dma_wait3A_30 = arith.constant 0 : i32
      %dma_wait3A_31 = tpu.memref_slice %arg5[%mul3A_0, %dma_wait3A_30] : memref<10240x128xf32, #tpu.memory_space<hbm>> -> memref<640x128xf32, #tpu.memory_space<hbm>>
      tpu.wait_dma2 semaphore(%run_scoped3A : memref<!tpu.dma_semaphore, #tpu.memory_space<semaphore_mem>>) src(%dma_wait3A_31 : memref<640x128xf32, #tpu.memory_space<hbm>>) dst(%dma_wait3A_29 : memref<640x128xf32, #tpu.memory_space<vmem_shared>>)
      tpu.yield
    }) : () -> ()
    %barrier3A = arith.constant 0 : index
    tpu.barrier barrier_id(%barrier3A)
    %mul3A_1 = arith.constant 10000 : i32
    %mul3A_2 = arith.muli %arg1, %mul3A_1 : i32
    "tpu.region"() ({
      %run_scoped3A = tpu.sem_alloc : memref<!tpu.dma_semaphore, #tpu.memory_space<semaphore_mem>>
      %dma_start3A_24 = tpu.memref_slice %arg3[%mul3A_2] : memref<160000xi32, #tpu.memory_space<hbm>> -> memref<128xi32, #tpu.memory_space<hbm>>
      %dma_start3A_25 = tpu.memref_slice %arg3[%mul3A_2] : memref<160000xi32, #tpu.memory_space<hbm>> -> memref<128xi32, #tpu.memory_space<hbm>>
      tpu.enqueue_dma source(%dma_start3A_25 : memref<128xi32, #tpu.memory_space<hbm>>) target(%arg8 : memref<128xi32, #tpu.memory_space<vmem>>) target_semaphore(%run_scoped3A : memref<!tpu.dma_semaphore, #tpu.memory_space<semaphore_mem>>)
      %dma_wait3A_26 = tpu.memref_slice %arg3[%mul3A_2] : memref<160000xi32, #tpu.memory_space<hbm>> -> memref<128xi32, #tpu.memory_space<hbm>>
      %dma_wait3A_27 = tpu.memref_slice %arg3[%mul3A_2] : memref<160000xi32, #tpu.memory_space<hbm>> -> memref<128xi32, #tpu.memory_space<hbm>>
      tpu.wait_dma2 semaphore(%run_scoped3A : memref<!tpu.dma_semaphore, #tpu.memory_space<semaphore_mem>>) src(%dma_wait3A_27 : memref<128xi32, #tpu.memory_space<hbm>>) dst(%arg8 : memref<128xi32, #tpu.memory_space<vmem>>)
      tpu.yield
    }) : () -> ()
    %scan3A = arith.constant 0 : i32
    %scan3A_3 = arith.constant 0 : i32
    %scan3A_4 = arith.constant 78 : i32
    %scan3A_5 = arith.addi %scan3A_3, %scan3A_4 : i32
    %scan3A_6 = arith.constant 1 : i32
    scf.for %scan3A_24 = %scan3A_3 to %scan3A_5 step %scan3A_6  : i32 {
      %mul3A_25 = arith.constant 128 : i32
      %mul3A_26 = arith.muli %scan3A_24, %mul3A_25 : i32
      %add3A_27 = arith.addi %mul3A_2, %mul3A_26 : i32
      %gt3A = arith.constant 0 : i32
      %gt3A_28 = arith.cmpi sgt, %scan3A_24, %gt3A : i32
      %convert_element_type3A = arith.extui %gt3A_28 : i1 to i32
      %cond3A = arith.constant 0 : i32
      %cond3A_29 = arith.cmpi ne, %convert_element_type3A, %cond3A : i32
      scf.if %cond3A_29 {
        %dma_wait3A_142 = tpu.memref_slice %arg3[%add3A_27] : memref<160000xi32, #tpu.memory_space<hbm>> -> memref<128xi32, #tpu.memory_space<hbm>>
        %dma_wait3A_143 = tpu.memref_slice %arg3[%add3A_27] : memref<160000xi32, #tpu.memory_space<hbm>> -> memref<128xi32, #tpu.memory_space<hbm>>
        tpu.wait_dma2 semaphore(%arg18 : memref<!tpu.dma_semaphore, #tpu.memory_space<semaphore_mem>>) src(%dma_wait3A_143 : memref<128xi32, #tpu.memory_space<hbm>>) dst(%arg8 : memref<128xi32, #tpu.memory_space<vmem>>)
      } else {
      }
      %dma_start3A_30 = tpu.memref_slice %arg4[%add3A_27] : memref<160000xi32, #tpu.memory_space<hbm>> -> memref<128xi32, #tpu.memory_space<hbm>>
      %dma_start3A_31 = tpu.memref_slice %arg4[%add3A_27] : memref<160000xi32, #tpu.memory_space<hbm>> -> memref<128xi32, #tpu.memory_space<hbm>>
      tpu.enqueue_dma source(%dma_start3A_31 : memref<128xi32, #tpu.memory_space<hbm>>) target(%arg10 : memref<128xi32, #tpu.memory_space<vmem>>) target_semaphore(%arg17 : memref<!tpu.dma_semaphore, #tpu.memory_space<semaphore_mem>>)
      %get3A_32 = arith.constant 0 : index
      %get3A_33 = tpu.vector_load %arg8[%get3A_32] {strides = array<i32>} : memref<128xi32, #tpu.memory_space<vmem>>, vector<16xi32>,
      %get3A_34 = vector.shape_cast %get3A_33 : vector<16xi32> to vector<16xi32>
      %mul3A_35 = arith.constant 2 : i32
      %mul3A_36 = vector.broadcast %mul3A_35 : i32 to vector<16xi32>
      %mul3A_37 = arith.muli %get3A_34, %mul3A_36 : vector<16xi32>
      %add3A_38 = vector.broadcast %arg0 : i32 to vector<16xi32>
      %add3A_39 = arith.addi %mul3A_37, %add3A_38 : vector<16xi32>
      %swap3A_40 = arith.constant 0 : index
      %swap3A_41 = tpu.vector_load %arg9[%swap3A_40] {strides = array<i32>} : memref<128xi32, #tpu.memory_space<vmem>>, vector<16xi32>,
      %swap3A_42 = vector.shape_cast %swap3A_41 : vector<16xi32> to vector<16xi32>
      %swap3A_43 = vector.shape_cast %add3A_39 : vector<16xi32> to vector<16xi32>
      tpu.vector_store %arg9[%swap3A_40], %swap3A_43 {strides = array<i32>} : memref<128xi32, #tpu.memory_space<vmem>>, vector<16xi32>,
      %get3A_44 = arith.constant 16 : index
      %get3A_45 = tpu.vector_load %arg8[%get3A_44] {strides = array<i32>} : memref<128xi32, #tpu.memory_space<vmem>>, vector<16xi32>,
      %get3A_46 = vector.shape_cast %get3A_45 : vector<16xi32> to vector<16xi32>
      %mul3A_47 = arith.constant 2 : i32
      %mul3A_48 = vector.broadcast %mul3A_47 : i32 to vector<16xi32>
      %mul3A_49 = arith.muli %get3A_46, %mul3A_48 : vector<16xi32>
      %add3A_50 = vector.broadcast %arg0 : i32 to vector<16xi32>
      %add3A_51 = arith.addi %mul3A_49, %add3A_50 : vector<16xi32>
      %swap3A_52 = arith.constant 16 : index
      %swap3A_53 = tpu.vector_load %arg9[%swap3A_52] {strides = array<i32>} : memref<128xi32, #tpu.memory_space<vmem>>, vector<16xi32>,
      %swap3A_54 = vector.shape_cast %swap3A_53 : vector<16xi32> to vector<16xi32>
      %swap3A_55 = vector.shape_cast %add3A_51 : vector<16xi32> to vector<16xi32>
      tpu.vector_store %arg9[%swap3A_52], %swap3A_55 {strides = array<i32>} : memref<128xi32, #tpu.memory_space<vmem>>, vector<16xi32>,
      %get3A_56 = arith.constant 32 : index
      %get3A_57 = tpu.vector_load %arg8[%get3A_56] {strides = array<i32>} : memref<128xi32, #tpu.memory_space<vmem>>, vector<16xi32>,
      %get3A_58 = vector.shape_cast %get3A_57 : vector<16xi32> to vector<16xi32>
      %mul3A_59 = arith.constant 2 : i32
      %mul3A_60 = vector.broadcast %mul3A_59 : i32 to vector<16xi32>
      %mul3A_61 = arith.muli %get3A_58, %mul3A_60 : vector<16xi32>
      %add3A_62 = vector.broadcast %arg0 : i32 to vector<16xi32>
      %add3A_63 = arith.addi %mul3A_61, %add3A_62 : vector<16xi32>
      %swap3A_64 = arith.constant 32 : index
      %swap3A_65 = tpu.vector_load %arg9[%swap3A_64] {strides = array<i32>} : memref<128xi32, #tpu.memory_space<vmem>>, vector<16xi32>,
      %swap3A_66 = vector.shape_cast %swap3A_65 : vector<16xi32> to vector<16xi32>
      %swap3A_67 = vector.shape_cast %add3A_63 : vector<16xi32> to vector<16xi32>
      tpu.vector_store %arg9[%swap3A_64], %swap3A_67 {strides = array<i32>} : memref<128xi32, #tpu.memory_space<vmem>>, vector<16xi32>,
      %get3A_68 = arith.constant 48 : index
      %get3A_69 = tpu.vector_load %arg8[%get3A_68] {strides = array<i32>} : memref<128xi32, #tpu.memory_space<vmem>>, vector<16xi32>,
      %get3A_70 = vector.shape_cast %get3A_69 : vector<16xi32> to vector<16xi32>
      %mul3A_71 = arith.constant 2 : i32
      %mul3A_72 = vector.broadcast %mul3A_71 : i32 to vector<16xi32>
      %mul3A_73 = arith.muli %get3A_70, %mul3A_72 : vector<16xi32>
      %add3A_74 = vector.broadcast %arg0 : i32 to vector<16xi32>
      %add3A_75 = arith.addi %mul3A_73, %add3A_74 : vector<16xi32>
      %swap3A_76 = arith.constant 48 : index
      %swap3A_77 = tpu.vector_load %arg9[%swap3A_76] {strides = array<i32>} : memref<128xi32, #tpu.memory_space<vmem>>, vector<16xi32>,
      %swap3A_78 = vector.shape_cast %swap3A_77 : vector<16xi32> to vector<16xi32>
      %swap3A_79 = vector.shape_cast %add3A_75 : vector<16xi32> to vector<16xi32>
      tpu.vector_store %arg9[%swap3A_76], %swap3A_79 {strides = array<i32>} : memref<128xi32, #tpu.memory_space<vmem>>, vector<16xi32>,
      %get3A_80 = arith.constant 64 : index
      %get3A_81 = tpu.vector_load %arg8[%get3A_80] {strides = array<i32>} : memref<128xi32, #tpu.memory_space<vmem>>, vector<16xi32>,
      %get3A_82 = vector.shape_cast %get3A_81 : vector<16xi32> to vector<16xi32>
      %mul3A_83 = arith.constant 2 : i32
      %mul3A_84 = vector.broadcast %mul3A_83 : i32 to vector<16xi32>
      %mul3A_85 = arith.muli %get3A_82, %mul3A_84 : vector<16xi32>
      %add3A_86 = vector.broadcast %arg0 : i32 to vector<16xi32>
      %add3A_87 = arith.addi %mul3A_85, %add3A_86 : vector<16xi32>
      %swap3A_88 = arith.constant 64 : index
      %swap3A_89 = tpu.vector_load %arg9[%swap3A_88] {strides = array<i32>} : memref<128xi32, #tpu.memory_space<vmem>>, vector<16xi32>,
      %swap3A_90 = vector.shape_cast %swap3A_89 : vector<16xi32> to vector<16xi32>
      %swap3A_91 = vector.shape_cast %add3A_87 : vector<16xi32> to vector<16xi32>
      tpu.vector_store %arg9[%swap3A_88], %swap3A_91 {strides = array<i32>} : memref<128xi32, #tpu.memory_space<vmem>>, vector<16xi32>,
      %get3A_92 = arith.constant 80 : index
      %get3A_93 = tpu.vector_load %arg8[%get3A_92] {strides = array<i32>} : memref<128xi32, #tpu.memory_space<vmem>>, vector<16xi32>,
      %get3A_94 = vector.shape_cast %get3A_93 : vector<16xi32> to vector<16xi32>
      %mul3A_95 = arith.constant 2 : i32
      %mul3A_96 = vector.broadcast %mul3A_95 : i32 to vector<16xi32>
      %mul3A_97 = arith.muli %get3A_94, %mul3A_96 : vector<16xi32>
      %add3A_98 = vector.broadcast %arg0 : i32 to vector<16xi32>
      %add3A_99 = arith.addi %mul3A_97, %add3A_98 : vector<16xi32>
      %swap3A_100 = arith.constant 80 : index
      %swap3A_101 = tpu.vector_load %arg9[%swap3A_100] {strides = array<i32>} : memref<128xi32, #tpu.memory_space<vmem>>, vector<16xi32>,
      %swap3A_102 = vector.shape_cast %swap3A_101 : vector<16xi32> to vector<16xi32>
      %swap3A_103 = vector.shape_cast %add3A_99 : vector<16xi32> to vector<16xi32>
      tpu.vector_store %arg9[%swap3A_100], %swap3A_103 {strides = array<i32>} : memref<128xi32, #tpu.memory_space<vmem>>, vector<16xi32>,
      %get3A_104 = arith.constant 96 : index
      %get3A_105 = tpu.vector_load %arg8[%get3A_104] {strides = array<i32>} : memref<128xi32, #tpu.memory_space<vmem>>, vector<16xi32>,
      %get3A_106 = vector.shape_cast %get3A_105 : vector<16xi32> to vector<16xi32>
      %mul3A_107 = arith.constant 2 : i32
      %mul3A_108 = vector.broadcast %mul3A_107 : i32 to vector<16xi32>
      %mul3A_109 = arith.muli %get3A_106, %mul3A_108 : vector<16xi32>
      %add3A_110 = vector.broadcast %arg0 : i32 to vector<16xi32>
      %add3A_111 = arith.addi %mul3A_109, %add3A_110 : vector<16xi32>
      %swap3A_112 = arith.constant 96 : index
      %swap3A_113 = tpu.vector_load %arg9[%swap3A_112] {strides = array<i32>} : memref<128xi32, #tpu.memory_space<vmem>>, vector<16xi32>,
      %swap3A_114 = vector.shape_cast %swap3A_113 : vector<16xi32> to vector<16xi32>
      %swap3A_115 = vector.shape_cast %add3A_111 : vector<16xi32> to vector<16xi32>
      tpu.vector_store %arg9[%swap3A_112], %swap3A_115 {strides = array<i32>} : memref<128xi32, #tpu.memory_space<vmem>>, vector<16xi32>,
      %get3A_116 = arith.constant 112 : index
      %get3A_117 = tpu.vector_load %arg8[%get3A_116] {strides = array<i32>} : memref<128xi32, #tpu.memory_space<vmem>>, vector<16xi32>,
      %get3A_118 = vector.shape_cast %get3A_117 : vector<16xi32> to vector<16xi32>
      %mul3A_119 = arith.constant 2 : i32
      %mul3A_120 = vector.broadcast %mul3A_119 : i32 to vector<16xi32>
      %mul3A_121 = arith.muli %get3A_118, %mul3A_120 : vector<16xi32>
      %add3A_122 = vector.broadcast %arg0 : i32 to vector<16xi32>
      %add3A_123 = arith.addi %mul3A_121, %add3A_122 : vector<16xi32>
      %swap3A_124 = arith.constant 112 : index
      %swap3A_125 = tpu.vector_load %arg9[%swap3A_124] {strides = array<i32>} : memref<128xi32, #tpu.memory_space<vmem>>, vector<16xi32>,
      %swap3A_126 = vector.shape_cast %swap3A_125 : vector<16xi32> to vector<16xi32>
      %swap3A_127 = vector.shape_cast %add3A_123 : vector<16xi32> to vector<16xi32>
      tpu.vector_store %arg9[%swap3A_124], %swap3A_127 {strides = array<i32>} : memref<128xi32, #tpu.memory_space<vmem>>, vector<16xi32>,
      %add3A_128 = arith.constant 1 : i32
      %add3A_129 = arith.addi %scan3A_24, %add3A_128 : i32
      %lt3A = arith.constant 78 : i32
      %lt3A_130 = arith.cmpi slt, %add3A_129, %lt3A : i32
      %convert_element_type3A_131 = arith.extui %lt3A_130 : i1 to i32
      %cond3A_132 = arith.constant 0 : i32
      %cond3A_133 = arith.cmpi ne, %convert_element_type3A_131, %cond3A_132 : i32
      scf.if %cond3A_133 {
        %add3A_142 = arith.constant 128 : i32
        %add3A_143 = arith.addi %add3A_27, %add3A_142 : i32
        %dma_start3A_144 = tpu.memref_slice %arg3[%add3A_143] : memref<160000xi32, #tpu.memory_space<hbm>> -> memref<128xi32, #tpu.memory_space<hbm>>
        %dma_start3A_145 = tpu.memref_slice %arg3[%add3A_143] : memref<160000xi32, #tpu.memory_space<hbm>> -> memref<128xi32, #tpu.memory_space<hbm>>
        tpu.enqueue_dma source(%dma_start3A_145 : memref<128xi32, #tpu.memory_space<hbm>>) target(%arg8 : memref<128xi32, #tpu.memory_space<vmem>>) target_semaphore(%arg18 : memref<!tpu.dma_semaphore, #tpu.memory_space<semaphore_mem>>)
      } else {
      }
      %dma_start3A_134 = arith.constant 0 : i32
      %dma_start3A_135 = arith.constant 0 : i32
      %dma_start3A_136 = tpu.memref_slice %arg2[%dma_start3A_134, %dma_start3A_135] : memref<20000x128xf32, #tpu.memory_space<hbm>> -> memref<20000x128xf32, #tpu.memory_space<hbm>>
      tpu.enqueue_indirect_dma source(%dma_start3A_136 : memref<20000x128xf32, #tpu.memory_space<hbm>>) target(%arg11 : memref<128x128xf32, #tpu.memory_space<vmem>>) offsets(%arg9 : memref<128xi32, #tpu.memory_space<vmem>>) semaphore(%arg16 : memref<!tpu.dma_semaphore, #tpu.memory_space<semaphore_mem>>)
      %dma_wait3A_137 = arith.constant 0 : i32
      %dma_wait3A_138 = arith.constant 0 : i32
      %dma_wait3A_139 = tpu.memref_slice %arg2[%dma_wait3A_137, %dma_wait3A_138] : memref<20000x128xf32, #tpu.memory_space<hbm>> -> memref<20000x128xf32, #tpu.memory_space<hbm>>
      tpu.wait_indirect_dma semaphore(%arg16 : memref<!tpu.dma_semaphore, #tpu.memory_space<semaphore_mem>>) src(%dma_wait3A_139 : memref<20000x128xf32, #tpu.memory_space<hbm>>) dst(%arg11 : memref<128x128xf32, #tpu.memory_space<vmem>>)
      %dma_wait3A_140 = tpu.memref_slice %arg4[%add3A_27] : memref<160000xi32, #tpu.memory_space<hbm>> -> memref<128xi32, #tpu.memory_space<hbm>>
      %dma_wait3A_141 = tpu.memref_slice %arg4[%add3A_27] : memref<160000xi32, #tpu.memory_space<hbm>> -> memref<128xi32, #tpu.memory_space<hbm>>
      tpu.wait_dma2 semaphore(%arg17 : memref<!tpu.dma_semaphore, #tpu.memory_space<semaphore_mem>>) src(%dma_wait3A_141 : memref<128xi32, #tpu.memory_space<hbm>>) dst(%arg10 : memref<128xi32, #tpu.memory_space<vmem>>)
      "tpu.region"() ({
        %run_scoped3A = tpu.sem_alloc : memref<!tpu.dma_semaphore, #tpu.memory_space<semaphore_mem>>
        %dma_start3A_142 = arith.constant 0 : i32
        %dma_start3A_143 = arith.constant 0 : i32
        %dma_start3A_144 = tpu.memref_slice %arg7[%dma_start3A_142, %dma_start3A_143] : memref<10240x128xf32, #tpu.memory_space<vmem_shared>> -> memref<10240x128xf32, #tpu.memory_space<vmem_shared>>
        tpu.enqueue_indirect_dma source(%arg11 : memref<128x128xf32, #tpu.memory_space<vmem>>) target(%dma_start3A_144 : memref<10240x128xf32, #tpu.memory_space<vmem_shared>>) offsets(%arg10 : memref<128xi32, #tpu.memory_space<vmem>>) semaphore(%run_scoped3A : memref<!tpu.dma_semaphore, #tpu.memory_space<semaphore_mem>>) {add = true}
        %dma_wait3A_145 = arith.constant 0 : i32
        %dma_wait3A_146 = arith.constant 0 : i32
        %dma_wait3A_147 = tpu.memref_slice %arg7[%dma_wait3A_145, %dma_wait3A_146] : memref<10240x128xf32, #tpu.memory_space<vmem_shared>> -> memref<10240x128xf32, #tpu.memory_space<vmem_shared>>
        tpu.wait_indirect_dma semaphore(%run_scoped3A : memref<!tpu.dma_semaphore, #tpu.memory_space<semaphore_mem>>) src(%arg11 : memref<128x128xf32, #tpu.memory_space<vmem>>) dst(%dma_wait3A_147 : memref<10240x128xf32, #tpu.memory_space<vmem_shared>>)
        tpu.yield
      }) : () -> ()
    }
    %scan3A_7 = arith.constant 78 : i32
    %add3A = arith.constant 9984 : i32
    %add3A_8 = arith.addi %mul3A_2, %add3A : i32
    "tpu.region"() ({
      %run_scoped3A = tpu.sem_alloc : memref<!tpu.dma_semaphore, #tpu.memory_space<semaphore_mem>>
      %dma_start3A_24 = tpu.memref_slice %arg3[%add3A_8] : memref<160000xi32, #tpu.memory_space<hbm>> -> memref<16xi32, #tpu.memory_space<hbm>>
      %dma_start3A_25 = tpu.memref_slice %arg3[%add3A_8] : memref<160000xi32, #tpu.memory_space<hbm>> -> memref<16xi32, #tpu.memory_space<hbm>>
      tpu.enqueue_dma source(%dma_start3A_25 : memref<16xi32, #tpu.memory_space<hbm>>) target(%arg12 : memref<16xi32, #tpu.memory_space<vmem>>) target_semaphore(%run_scoped3A : memref<!tpu.dma_semaphore, #tpu.memory_space<semaphore_mem>>)
      %dma_wait3A_26 = tpu.memref_slice %arg3[%add3A_8] : memref<160000xi32, #tpu.memory_space<hbm>> -> memref<16xi32, #tpu.memory_space<hbm>>
      %dma_wait3A_27 = tpu.memref_slice %arg3[%add3A_8] : memref<160000xi32, #tpu.memory_space<hbm>> -> memref<16xi32, #tpu.memory_space<hbm>>
      tpu.wait_dma2 semaphore(%run_scoped3A : memref<!tpu.dma_semaphore, #tpu.memory_space<semaphore_mem>>) src(%dma_wait3A_27 : memref<16xi32, #tpu.memory_space<hbm>>) dst(%arg12 : memref<16xi32, #tpu.memory_space<vmem>>)
      tpu.yield
    }) : () -> ()
    %get3A = arith.constant 0 : index
    %get3A_9 = tpu.vector_load %arg12[%get3A] {strides = array<i32>} : memref<16xi32, #tpu.memory_space<vmem>>, vector<16xi32>,
    %get3A_10 = vector.shape_cast %get3A_9 : vector<16xi32> to vector<16xi32>
    %mul3A_11 = arith.constant 2 : i32
    %mul3A_12 = vector.broadcast %mul3A_11 : i32 to vector<16xi32>
    %mul3A_13 = arith.muli %get3A_10, %mul3A_12 : vector<16xi32>
    %add3A_14 = vector.broadcast %arg0 : i32 to vector<16xi32>
    %add3A_15 = arith.addi %mul3A_13, %add3A_14 : vector<16xi32>
    %swap3A = arith.constant 0 : index
    %swap3A_16 = tpu.vector_load %arg13[%swap3A] {strides = array<i32>} : memref<16xi32, #tpu.memory_space<vmem>>, vector<16xi32>,
    %swap3A_17 = vector.shape_cast %swap3A_16 : vector<16xi32> to vector<16xi32>
    %swap3A_18 = vector.shape_cast %add3A_15 : vector<16xi32> to vector<16xi32>
    tpu.vector_store %arg13[%swap3A], %swap3A_18 {strides = array<i32>} : memref<16xi32, #tpu.memory_space<vmem>>, vector<16xi32>,
    %dma_start3A = arith.constant 0 : i32
    %dma_start3A_19 = arith.constant 0 : i32
    %dma_start3A_20 = tpu.memref_slice %arg2[%dma_start3A, %dma_start3A_19] : memref<20000x128xf32, #tpu.memory_space<hbm>> -> memref<20000x128xf32, #tpu.memory_space<hbm>>
    tpu.enqueue_indirect_dma source(%dma_start3A_20 : memref<20000x128xf32, #tpu.memory_space<hbm>>) target(%arg15 : memref<16x128xf32, #tpu.memory_space<vmem>>) offsets(%arg13 : memref<16xi32, #tpu.memory_space<vmem>>) semaphore(%arg16 : memref<!tpu.dma_semaphore, #tpu.memory_space<semaphore_mem>>)
    %dma_wait3A = arith.constant 0 : i32
    %dma_wait3A_21 = arith.constant 0 : i32
    %dma_wait3A_22 = tpu.memref_slice %arg2[%dma_wait3A, %dma_wait3A_21] : memref<20000x128xf32, #tpu.memory_space<hbm>> -> memref<20000x128xf32, #tpu.memory_space<hbm>>
    tpu.wait_indirect_dma semaphore(%arg16 : memref<!tpu.dma_semaphore, #tpu.memory_space<semaphore_mem>>) src(%dma_wait3A_22 : memref<20000x128xf32, #tpu.memory_space<hbm>>) dst(%arg15 : memref<16x128xf32, #tpu.memory_space<vmem>>)
    "tpu.region"() ({
      %run_scoped3A = tpu.sem_alloc : memref<!tpu.dma_semaphore, #tpu.memory_space<semaphore_mem>>
      %dma_start3A_24 = tpu.memref_slice %arg4[%add3A_8] : memref<160000xi32, #tpu.memory_space<hbm>> -> memref<16xi32, #tpu.memory_space<hbm>>
      %dma_start3A_25 = tpu.memref_slice %arg4[%add3A_8] : memref<160000xi32, #tpu.memory_space<hbm>> -> memref<16xi32, #tpu.memory_space<hbm>>
      tpu.enqueue_dma source(%dma_start3A_25 : memref<16xi32, #tpu.memory_space<hbm>>) target(%arg14 : memref<16xi32, #tpu.memory_space<vmem>>) target_semaphore(%run_scoped3A : memref<!tpu.dma_semaphore, #tpu.memory_space<semaphore_mem>>)
      %dma_wait3A_26 = tpu.memref_slice %arg4[%add3A_8] : memref<160000xi32, #tpu.memory_space<hbm>> -> memref<16xi32, #tpu.memory_space<hbm>>
      %dma_wait3A_27 = tpu.memref_slice %arg4[%add3A_8] : memref<160000xi32, #tpu.memory_space<hbm>> -> memref<16xi32, #tpu.memory_space<hbm>>
      tpu.wait_dma2 semaphore(%run_scoped3A : memref<!tpu.dma_semaphore, #tpu.memory_space<semaphore_mem>>) src(%dma_wait3A_27 : memref<16xi32, #tpu.memory_space<hbm>>) dst(%arg14 : memref<16xi32, #tpu.memory_space<vmem>>)
      tpu.yield
    }) : () -> ()
    "tpu.region"() ({
      %run_scoped3A = tpu.sem_alloc : memref<!tpu.dma_semaphore, #tpu.memory_space<semaphore_mem>>
      %dma_start3A_24 = arith.constant 0 : i32
      %dma_start3A_25 = arith.constant 0 : i32
      %dma_start3A_26 = tpu.memref_slice %arg7[%dma_start3A_24, %dma_start3A_25] : memref<10240x128xf32, #tpu.memory_space<vmem_shared>> -> memref<10240x128xf32, #tpu.memory_space<vmem_shared>>
      tpu.enqueue_indirect_dma source(%arg15 : memref<16x128xf32, #tpu.memory_space<vmem>>) target(%dma_start3A_26 : memref<10240x128xf32, #tpu.memory_space<vmem_shared>>) offsets(%arg14 : memref<16xi32, #tpu.memory_space<vmem>>) semaphore(%run_scoped3A : memref<!tpu.dma_semaphore, #tpu.memory_space<semaphore_mem>>) {add = true}
      %dma_wait3A_27 = arith.constant 0 : i32
      %dma_wait3A_28 = arith.constant 0 : i32
      %dma_wait3A_29 = tpu.memref_slice %arg7[%dma_wait3A_27, %dma_wait3A_28] : memref<10240x128xf32, #tpu.memory_space<vmem_shared>> -> memref<10240x128xf32, #tpu.memory_space<vmem_shared>>
      tpu.wait_indirect_dma semaphore(%run_scoped3A : memref<!tpu.dma_semaphore, #tpu.memory_space<semaphore_mem>>) src(%arg15 : memref<16x128xf32, #tpu.memory_space<vmem>>) dst(%dma_wait3A_29 : memref<10240x128xf32, #tpu.memory_space<vmem_shared>>)
      tpu.yield
    }) : () -> ()
    %barrier3A_23 = arith.constant 0 : index
    tpu.barrier barrier_id(%barrier3A_23)
    "tpu.region"() ({
      %run_scoped3A = tpu.sem_alloc : memref<!tpu.dma_semaphore, #tpu.memory_space<semaphore_mem>>
      %dma_start3A_24 = arith.constant 0 : i32
      %dma_start3A_25 = tpu.memref_slice %arg6[%arg0, %mul3A_0, %dma_start3A_24] : memref<2x10240x128xf32, #tpu.memory_space<hbm>> -> memref<1x640x128xf32, #tpu.memory_space<hbm>>
      %dma_start3A_26 = tpu.memref_squeeze %dma_start3A_25 : memref<1x640x128xf32, #tpu.memory_space<hbm>> -> memref<640x128xf32, #tpu.memory_space<hbm>>
      %dma_start3A_27 = arith.constant 0 : i32
      %dma_start3A_28 = tpu.memref_slice %arg7[%mul3A_0, %dma_start3A_27] : memref<10240x128xf32, #tpu.memory_space<vmem_shared>> -> memref<640x128xf32, #tpu.memory_space<vmem_shared>>
      tpu.enqueue_dma source(%dma_start3A_28 : memref<640x128xf32, #tpu.memory_space<vmem_shared>>) target(%dma_start3A_26 : memref<640x128xf32, #tpu.memory_space<hbm>>) target_semaphore(%run_scoped3A : memref<!tpu.dma_semaphore, #tpu.memory_space<semaphore_mem>>)
      %dma_wait3A_29 = arith.constant 0 : i32
      %dma_wait3A_30 = tpu.memref_slice %arg6[%arg0, %mul3A_0, %dma_wait3A_29] : memref<2x10240x128xf32, #tpu.memory_space<hbm>> -> memref<1x640x128xf32, #tpu.memory_space<hbm>>
      %dma_wait3A_31 = tpu.memref_squeeze %dma_wait3A_30 : memref<1x640x128xf32, #tpu.memory_space<hbm>> -> memref<640x128xf32, #tpu.memory_space<hbm>>
      %dma_wait3A_32 = arith.constant 0 : i32
      %dma_wait3A_33 = tpu.memref_slice %arg7[%mul3A_0, %dma_wait3A_32] : memref<10240x128xf32, #tpu.memory_space<vmem_shared>> -> memref<640x128xf32, #tpu.memory_space<vmem_shared>>
      tpu.wait_dma2 semaphore(%run_scoped3A : memref<!tpu.dma_semaphore, #tpu.memory_space<semaphore_mem>>) src(%dma_wait3A_33 : memref<640x128xf32, #tpu.memory_space<vmem_shared>>) dst(%dma_wait3A_31 : memref<640x128xf32, #tpu.memory_space<hbm>>)
      tpu.yield
    }) : () -> ()
    return
  }
}

module attributes {stable_mosaic.version = 14 : i64} {
  func.func @_mlp3_body(%arg0: i32, %arg1: memref<1000x256xf32, #tpu.memory_space<vmem>>, %arg2: memref<1000x128xf32, #tpu.memory_space<vmem>>, %arg3: memref<1000x128xf32, #tpu.memory_space<vmem>>, %arg4: memref<256x768xf32, #tpu.memory_space<vmem>>, %arg5: memref<1x768xf32, #tpu.memory_space<vmem>>, %arg6: memref<256x256xf32, #tpu.memory_space<vmem>>, %arg7: memref<256x256xf32, #tpu.memory_space<vmem>>, %arg8: memref<256x256xf32, #tpu.memory_space<vmem>>, %arg9: memref<1x768xf32, #tpu.memory_space<vmem>>, %arg10: memref<1000x768xf32, #tpu.memory_space<vmem>>, %arg11: memref<8x768xf32, #tpu.memory_space<vmem>>) attributes {dimension_semantics = [#tpu.dimension_semantics<arbitrary>], iteration_bounds = array<i64: 10>, scalar_prefetch = 0 : i64, scratch_operands = 0 : i64, tpu.core_type = #tpu.core_type<tc>, window_params = [{transform_indices = @transform_0, window_bounds = array<i64: 1000, 256>}, {transform_indices = @transform_1, window_bounds = array<i64: 1000, 128>}, {transform_indices = @transform_2, window_bounds = array<i64: 1000, 128>}, {pipeline_mode = #tpu.pipeline_mode<synchronous>, transform_indices = @transform_3, window_bounds = array<i64: 256, 768>}, {pipeline_mode = #tpu.pipeline_mode<synchronous>, transform_indices = @transform_4, window_bounds = array<i64: 1, 768>}, {pipeline_mode = #tpu.pipeline_mode<synchronous>, transform_indices = @transform_5, window_bounds = array<i64: 256, 256>}, {pipeline_mode = #tpu.pipeline_mode<synchronous>, transform_indices = @transform_6, window_bounds = array<i64: 256, 256>}, {pipeline_mode = #tpu.pipeline_mode<synchronous>, transform_indices = @transform_7, window_bounds = array<i64: 256, 256>}, {pipeline_mode = #tpu.pipeline_mode<synchronous>, transform_indices = @transform_8, window_bounds = array<i64: 1, 768>}, {transform_indices = @transform_9, window_bounds = array<i64: 1000, 768>}, {pipeline_mode = #tpu.pipeline_mode<synchronous>, transform_indices = @transform_10, window_bounds = array<i64: 8, 768>}]} {
    %get3A = arith.constant 0 : index
    %get3A_0 = arith.constant 0 : index
    %get3A_1 = vector.load %arg1[%get3A, %get3A_0] : memref<1000x256xf32, #tpu.memory_space<vmem>>, vector<1000x256xf32>
    %get3A_2 = arith.constant 0 : index
    %get3A_3 = arith.constant 0 : index
    %get3A_4 = vector.load %arg2[%get3A_2, %get3A_3] : memref<1000x128xf32, #tpu.memory_space<vmem>>, vector<1000x128xf32>
    %get3A_5 = arith.constant 0 : index
    %get3A_6 = arith.constant 0 : index
    %get3A_7 = vector.load %arg3[%get3A_5, %get3A_6] : memref<1000x128xf32, #tpu.memory_space<vmem>>, vector<1000x128xf32>
    %concatenate3A = tpu.concatenate %get3A_4, %get3A_7 in 1 : vector<1000x128xf32>, vector<1000x128xf32> -> vector<1000x256xf32>
    %add3A = arith.addf %get3A_1, %concatenate3A : vector<1000x256xf32>
    %get3A_8 = arith.constant 0 : index
    %get3A_9 = arith.constant 0 : index
    %get3A_10 = vector.load %arg4[%get3A_8, %get3A_9] : memref<256x768xf32, #tpu.memory_space<vmem>>, vector<256x768xf32>
    %dot_general3A = arith.constant dense<0.000000e+00> : vector<1000x768xf32>
    %dot_general3A_11 = tpu.matmul %add3A, %get3A_10, %dot_general3A {dimension_numbers = #tpu.dot_dimension_numbers<[1], [0], [0], [1], [0, 0, 1, 1], [], []>, transpose_lhs_hint = false} : vector<1000x256xf32>, vector<256x768xf32>, vector<1000x768xf32> -> vector<1000x768xf32>
    %get3A_12 = arith.constant 0 : index
    %get3A_13 = arith.constant 0 : index
    %get3A_14 = vector.load %arg5[%get3A_12, %get3A_13] : memref<1x768xf32, #tpu.memory_space<vmem>>, vector<1x768xf32>
    %add3A_15 = vector.broadcast %get3A_14 : vector<1x768xf32> to vector<1000x768xf32>
    %add3A_16 = arith.addf %dot_general3A_11, %add3A_15 : vector<1000x768xf32>
    %max3A = arith.constant 0.000000e+00 : f32
    %max3A_17 = vector.broadcast %max3A : f32 to vector<1000x768xf32>
    %max3A_18 = arith.maximumf %add3A_16, %max3A_17 : vector<1000x768xf32>
    %slice3A = vector.extract_strided_slice %max3A_18 {offsets = [0, 0], sizes = [1000, 256], strides = [1, 1]} : vector<1000x768xf32> to vector<1000x256xf32>
    %get3A_19 = arith.constant 0 : index
    %get3A_20 = arith.constant 0 : index
    %get3A_21 = vector.load %arg6[%get3A_19, %get3A_20] : memref<256x256xf32, #tpu.memory_space<vmem>>, vector<256x256xf32>
    %dot_general3A_22 = arith.constant dense<0.000000e+00> : vector<1000x256xf32>
    %dot_general3A_23 = tpu.matmul %slice3A, %get3A_21, %dot_general3A_22 {dimension_numbers = #tpu.dot_dimension_numbers<[1], [0], [0], [1], [0, 0, 1, 1], [], []>, transpose_lhs_hint = false} : vector<1000x256xf32>, vector<256x256xf32>, vector<1000x256xf32> -> vector<1000x256xf32>
    %get3A_24 = arith.constant 0 : index
    %get3A_25 = arith.constant 0 : index
    %get3A_26 = vector.load %arg9[%get3A_24, %get3A_25] : memref<1x768xf32, #tpu.memory_space<vmem>>, vector<1x256xf32>
    %add3A_27 = vector.broadcast %get3A_26 : vector<1x256xf32> to vector<1000x256xf32>
    %add3A_28 = arith.addf %dot_general3A_23, %add3A_27 : vector<1000x256xf32>
    %max3A_29 = arith.constant 0.000000e+00 : f32
    %max3A_30 = vector.broadcast %max3A_29 : f32 to vector<1000x256xf32>
    %max3A_31 = arith.maximumf %add3A_28, %max3A_30 : vector<1000x256xf32>
    %slice3A_32 = vector.extract_strided_slice %max3A_18 {offsets = [0, 256], sizes = [1000, 256], strides = [1, 1]} : vector<1000x768xf32> to vector<1000x256xf32>
    %get3A_33 = arith.constant 0 : index
    %get3A_34 = arith.constant 0 : index
    %get3A_35 = vector.load %arg7[%get3A_33, %get3A_34] : memref<256x256xf32, #tpu.memory_space<vmem>>, vector<256x256xf32>
    %dot_general3A_36 = arith.constant dense<0.000000e+00> : vector<1000x256xf32>
    %dot_general3A_37 = tpu.matmul %slice3A_32, %get3A_35, %dot_general3A_36 {dimension_numbers = #tpu.dot_dimension_numbers<[1], [0], [0], [1], [0, 0, 1, 1], [], []>, transpose_lhs_hint = false} : vector<1000x256xf32>, vector<256x256xf32>, vector<1000x256xf32> -> vector<1000x256xf32>
    %get3A_38 = arith.constant 0 : index
    %get3A_39 = arith.constant 256 : index
    %get3A_40 = vector.load %arg9[%get3A_38, %get3A_39] : memref<1x768xf32, #tpu.memory_space<vmem>>, vector<1x256xf32>
    %add3A_41 = vector.broadcast %get3A_40 : vector<1x256xf32> to vector<1000x256xf32>
    %add3A_42 = arith.addf %dot_general3A_37, %add3A_41 : vector<1000x256xf32>
    %max3A_43 = arith.constant 0.000000e+00 : f32
    %max3A_44 = vector.broadcast %max3A_43 : f32 to vector<1000x256xf32>
    %max3A_45 = arith.maximumf %add3A_42, %max3A_44 : vector<1000x256xf32>
    %slice3A_46 = vector.extract_strided_slice %max3A_18 {offsets = [0, 512], sizes = [1000, 256], strides = [1, 1]} : vector<1000x768xf32> to vector<1000x256xf32>
    %get3A_47 = arith.constant 0 : index
    %get3A_48 = arith.constant 0 : index
    %get3A_49 = vector.load %arg8[%get3A_47, %get3A_48] : memref<256x256xf32, #tpu.memory_space<vmem>>, vector<256x256xf32>
    %dot_general3A_50 = arith.constant dense<0.000000e+00> : vector<1000x256xf32>
    %dot_general3A_51 = tpu.matmul %slice3A_46, %get3A_49, %dot_general3A_50 {dimension_numbers = #tpu.dot_dimension_numbers<[1], [0], [0], [1], [0, 0, 1, 1], [], []>, transpose_lhs_hint = false} : vector<1000x256xf32>, vector<256x256xf32>, vector<1000x256xf32> -> vector<1000x256xf32>
    %get3A_52 = arith.constant 0 : index
    %get3A_53 = arith.constant 512 : index
    %get3A_54 = vector.load %arg9[%get3A_52, %get3A_53] : memref<1x768xf32, #tpu.memory_space<vmem>>, vector<1x256xf32>
    %add3A_55 = vector.broadcast %get3A_54 : vector<1x256xf32> to vector<1000x256xf32>
    %add3A_56 = arith.addf %dot_general3A_51, %add3A_55 : vector<1000x256xf32>
    %max3A_57 = arith.constant 0.000000e+00 : f32
    %max3A_58 = vector.broadcast %max3A_57 : f32 to vector<1000x256xf32>
    %max3A_59 = arith.maximumf %add3A_56, %max3A_58 : vector<1000x256xf32>
    %concatenate3A_60 = tpu.concatenate %max3A_31, %max3A_45, %max3A_59 in 1 : vector<1000x256xf32>, vector<1000x256xf32>, vector<1000x256xf32> -> vector<1000x768xf32>
    %swap3A = arith.constant 0 : index
    %swap3A_61 = arith.constant 0 : index
    %swap3A_62 = vector.load %arg10[%swap3A, %swap3A_61] : memref<1000x768xf32, #tpu.memory_space<vmem>>, vector<1000x768xf32>
    tpu.vector_store %arg10[%swap3A, %swap3A_61], %concatenate3A_60 {strides = array<i32>} : memref<1000x768xf32, #tpu.memory_space<vmem>>, vector<1000x768xf32>,
    %eq3A = arith.constant 0 : i32
    %eq3A_63 = arith.cmpi eq, %arg0, %eq3A : i32
    %convert_element_type3A = arith.extui %eq3A_63 : i1 to i32
    %cond3A = arith.constant 0 : i32
    %cond3A_64 = arith.cmpi ne, %convert_element_type3A, %cond3A : i32
    scf.if %cond3A_64 {
      %broadcast_in_dim3A_83 = arith.constant 0.000000e+00 : f32
      %broadcast_in_dim3A_84 = vector.broadcast %broadcast_in_dim3A_83 : f32 to vector<8x768xf32>
      %swap3A_85 = arith.constant 0 : index
      %swap3A_86 = arith.constant 0 : index
      %swap3A_87 = vector.load %arg11[%swap3A_85, %swap3A_86] : memref<8x768xf32, #tpu.memory_space<vmem>>, vector<8x768xf32>
      tpu.vector_store %arg11[%swap3A_85, %swap3A_86], %broadcast_in_dim3A_84 {strides = array<i32>} : memref<8x768xf32, #tpu.memory_space<vmem>>, vector<8x768xf32>,
    } else {
    }
    %get3A_65 = arith.constant 0 : index
    %get3A_66 = arith.constant 0 : index
    %get3A_67 = vector.load %arg11[%get3A_65, %get3A_66] : memref<8x768xf32, #tpu.memory_space<vmem>>, vector<1x768xf32>
    %reduce_sum3A = arith.constant dense<0.000000e+00> : vector<768xf32>
    %reduce_sum3A_68 = vector.multi_reduction <add>, %concatenate3A_60, %reduce_sum3A [0] : vector<1000x768xf32> to vector<768xf32>
    %broadcast_in_dim3A = vector.shape_cast %reduce_sum3A_68 : vector<768xf32> to vector<1x768xf32>
    %add3A_69 = arith.addf %get3A_67, %broadcast_in_dim3A : vector<1x768xf32>
    %swap3A_70 = arith.constant 0 : index
    %swap3A_71 = arith.constant 0 : index
    %swap3A_72 = vector.load %arg11[%swap3A_70, %swap3A_71] : memref<8x768xf32, #tpu.memory_space<vmem>>, vector<1x768xf32>
    tpu.vector_store %arg11[%swap3A_70, %swap3A_71], %add3A_69 {strides = array<i32>} : memref<8x768xf32, #tpu.memory_space<vmem>>, vector<1x768xf32>,
    %get3A_73 = arith.constant 1 : index
    %get3A_74 = arith.constant 0 : index
    %get3A_75 = vector.load %arg11[%get3A_73, %get3A_74] : memref<8x768xf32, #tpu.memory_space<vmem>>, vector<1x768xf32>
    %mul3A = arith.mulf %concatenate3A_60, %concatenate3A_60 : vector<1000x768xf32>
    %reduce_sum3A_76 = arith.constant dense<0.000000e+00> : vector<768xf32>
    %reduce_sum3A_77 = vector.multi_reduction <add>, %mul3A, %reduce_sum3A_76 [0] : vector<1000x768xf32> to vector<768xf32>
    %broadcast_in_dim3A_78 = vector.shape_cast %reduce_sum3A_77 : vector<768xf32> to vector<1x768xf32>
    %add3A_79 = arith.addf %get3A_75, %broadcast_in_dim3A_78 : vector<1x768xf32>
    %swap3A_80 = arith.constant 1 : index
    %swap3A_81 = arith.constant 0 : index
    %swap3A_82 = vector.load %arg11[%swap3A_80, %swap3A_81] : memref<8x768xf32, #tpu.memory_space<vmem>>, vector<1x768xf32>
    tpu.vector_store %arg11[%swap3A_80, %swap3A_81], %add3A_79 {strides = array<i32>} : memref<8x768xf32, #tpu.memory_space<vmem>>, vector<1x768xf32>,
    return
  }
  func.func @transform_0(%arg0: i32) -> (i32, i32) {
    %c0_i32 = arith.constant 0 : i32
    %c0_i32_0 = arith.constant 0 : i32
    return %arg0, %c0_i32 : i32, i32
  }
  func.func @transform_1(%arg0: i32) -> (i32, i32) {
    %c0_i32 = arith.constant 0 : i32
    %c0_i32_0 = arith.constant 0 : i32
    return %arg0, %c0_i32 : i32, i32
  }
  func.func @transform_2(%arg0: i32) -> (i32, i32) {
    %c0_i32 = arith.constant 0 : i32
    %c0_i32_0 = arith.constant 0 : i32
    return %arg0, %c0_i32 : i32, i32
  }
  func.func @transform_3(%arg0: i32) -> (i32, i32) {
    %c0_i32 = arith.constant 0 : i32
    %c0_i32_0 = arith.constant 0 : i32
    %c0_i32_1 = arith.constant 0 : i32
    return %c0_i32, %c0_i32_0 : i32, i32
  }
  func.func @transform_4(%arg0: i32) -> (i32, i32) {
    %c0_i32 = arith.constant 0 : i32
    %c0_i32_0 = arith.constant 0 : i32
    %c0_i32_1 = arith.constant 0 : i32
    return %c0_i32, %c0_i32_0 : i32, i32
  }
  func.func @transform_5(%arg0: i32) -> (i32, i32) {
    %c0_i32 = arith.constant 0 : i32
    %c0_i32_0 = arith.constant 0 : i32
    %c0_i32_1 = arith.constant 0 : i32
    return %c0_i32, %c0_i32_0 : i32, i32
  }
  func.func @transform_6(%arg0: i32) -> (i32, i32) {
    %c0_i32 = arith.constant 0 : i32
    %c0_i32_0 = arith.constant 0 : i32
    %c0_i32_1 = arith.constant 0 : i32
    return %c0_i32, %c0_i32_0 : i32, i32
  }
  func.func @transform_7(%arg0: i32) -> (i32, i32) {
    %c0_i32 = arith.constant 0 : i32
    %c0_i32_0 = arith.constant 0 : i32
    %c0_i32_1 = arith.constant 0 : i32
    return %c0_i32, %c0_i32_0 : i32, i32
  }
  func.func @transform_8(%arg0: i32) -> (i32, i32) {
    %c0_i32 = arith.constant 0 : i32
    %c0_i32_0 = arith.constant 0 : i32
    %c0_i32_1 = arith.constant 0 : i32
    return %c0_i32, %c0_i32_0 : i32, i32
  }
  func.func @transform_9(%arg0: i32) -> (i32, i32) {
    %c0_i32 = arith.constant 0 : i32
    %c0_i32_0 = arith.constant 0 : i32
    return %arg0, %c0_i32 : i32, i32
  }
  func.func @transform_10(%arg0: i32) -> (i32, i32) {
    %c0_i32 = arith.constant 0 : i32
    %c0_i32_0 = arith.constant 0 : i32
    %c0_i32_1 = arith.constant 0 : i32
    return %c0_i32, %c0_i32_0 : i32, i32
  }
}

module attributes {stable_mosaic.version = 14 : i64} {
  func.func @_norm_pool_body(%arg0: i32, %arg1: memref<1000x768xf32, #tpu.memory_space<vmem>>, %arg2: memref<8x768xf32, #tpu.memory_space<vmem>>, %arg3: memref<1x768xf32, #tpu.memory_space<vmem>>, %arg4: memref<1x768xf32, #tpu.memory_space<vmem>>, %arg5: memref<1000x64xf32, #tpu.memory_space<vmem>>, %arg6: memref<1000x768xf32, #tpu.memory_space<vmem>>, %arg7: memref<64x768xf32, #tpu.memory_space<vmem>>) attributes {dimension_semantics = [#tpu.dimension_semantics<arbitrary>], iteration_bounds = array<i64: 10>, scalar_prefetch = 0 : i64, scratch_operands = 0 : i64, tpu.core_type = #tpu.core_type<tc>, window_params = [{transform_indices = @transform_0, window_bounds = array<i64: 1000, 768>}, {pipeline_mode = #tpu.pipeline_mode<synchronous>, transform_indices = @transform_1, window_bounds = array<i64: 8, 768>}, {pipeline_mode = #tpu.pipeline_mode<synchronous>, transform_indices = @transform_2, window_bounds = array<i64: 1, 768>}, {pipeline_mode = #tpu.pipeline_mode<synchronous>, transform_indices = @transform_3, window_bounds = array<i64: 1, 768>}, {transform_indices = @transform_4, window_bounds = array<i64: 1000, 64>}, {transform_indices = @transform_5, window_bounds = array<i64: 1000, 768>}, {pipeline_mode = #tpu.pipeline_mode<synchronous>, transform_indices = @transform_6, window_bounds = array<i64: 64, 768>}]} {
    %get3A = arith.constant 0 : index
    %get3A_0 = arith.constant 0 : index
    %get3A_1 = vector.load %arg2[%get3A, %get3A_0] : memref<8x768xf32, #tpu.memory_space<vmem>>, vector<8x768xf32>
    %slice3A = vector.extract_strided_slice %get3A_1 {offsets = [0, 0], sizes = [1, 768], strides = [1, 1]} : vector<8x768xf32> to vector<1x768xf32>
    %mul3A = arith.constant 9.99999974E-5 : f32
    %mul3A_2 = vector.broadcast %mul3A : f32 to vector<1x768xf32>
    %mul3A_3 = arith.mulf %slice3A, %mul3A_2 : vector<1x768xf32>
    %slice3A_4 = vector.extract_strided_slice %get3A_1 {offsets = [1, 0], sizes = [1, 768], strides = [1, 1]} : vector<8x768xf32> to vector<1x768xf32>
    %mul3A_5 = arith.constant 9.99999974E-5 : f32
    %mul3A_6 = vector.broadcast %mul3A_5 : f32 to vector<1x768xf32>
    %mul3A_7 = arith.mulf %slice3A_4, %mul3A_6 : vector<1x768xf32>
    %mul3A_8 = arith.mulf %mul3A_3, %mul3A_3 : vector<1x768xf32>
    %sub3A = arith.subf %mul3A_7, %mul3A_8 : vector<1x768xf32>
    %add3A = arith.constant 9.99999974E-6 : f32
    %add3A_9 = vector.broadcast %add3A : f32 to vector<1x768xf32>
    %add3A_10 = arith.addf %sub3A, %add3A_9 : vector<1x768xf32>
    %rsqrt3A = math.rsqrt %add3A_10 : vector<1x768xf32>
    %get3A_11 = arith.constant 0 : index
    %get3A_12 = arith.constant 0 : index
    %get3A_13 = vector.load %arg1[%get3A_11, %get3A_12] : memref<1000x768xf32, #tpu.memory_space<vmem>>, vector<1000x768xf32>
    %sub3A_14 = vector.broadcast %mul3A_3 : vector<1x768xf32> to vector<1000x768xf32>
    %sub3A_15 = arith.subf %get3A_13, %sub3A_14 : vector<1000x768xf32>
    %get3A_16 = arith.constant 0 : index
    %get3A_17 = arith.constant 0 : index
    %get3A_18 = vector.load %arg3[%get3A_16, %get3A_17] : memref<1x768xf32, #tpu.memory_space<vmem>>, vector<1x768xf32>
    %mul3A_19 = arith.mulf %rsqrt3A, %get3A_18 : vector<1x768xf32>
    %mul3A_20 = vector.broadcast %mul3A_19 : vector<1x768xf32> to vector<1000x768xf32>
    %mul3A_21 = arith.mulf %sub3A_15, %mul3A_20 : vector<1000x768xf32>
    %get3A_22 = arith.constant 0 : index
    %get3A_23 = arith.constant 0 : index
    %get3A_24 = vector.load %arg4[%get3A_22, %get3A_23] : memref<1x768xf32, #tpu.memory_space<vmem>>, vector<1x768xf32>
    %add3A_25 = vector.broadcast %get3A_24 : vector<1x768xf32> to vector<1000x768xf32>
    %add3A_26 = arith.addf %mul3A_21, %add3A_25 : vector<1000x768xf32>
    %swap3A = arith.constant 0 : index
    %swap3A_27 = arith.constant 0 : index
    %swap3A_28 = vector.load %arg6[%swap3A, %swap3A_27] : memref<1000x768xf32, #tpu.memory_space<vmem>>, vector<1000x768xf32>
    tpu.vector_store %arg6[%swap3A, %swap3A_27], %add3A_26 {strides = array<i32>} : memref<1000x768xf32, #tpu.memory_space<vmem>>, vector<1000x768xf32>,
    %eq3A = arith.constant 0 : i32
    %eq3A_29 = arith.cmpi eq, %arg0, %eq3A : i32
    %convert_element_type3A = arith.extui %eq3A_29 : i1 to i32
    %cond3A = arith.constant 0 : i32
    %cond3A_30 = arith.cmpi ne, %convert_element_type3A, %cond3A : i32
    scf.if %cond3A_30 {
      %broadcast_in_dim3A = arith.constant 0.000000e+00 : f32
      %broadcast_in_dim3A_42 = vector.broadcast %broadcast_in_dim3A : f32 to vector<64x768xf32>
      %swap3A_43 = arith.constant 0 : index
      %swap3A_44 = arith.constant 0 : index
      %swap3A_45 = vector.load %arg7[%swap3A_43, %swap3A_44] : memref<64x768xf32, #tpu.memory_space<vmem>>, vector<64x768xf32>
      tpu.vector_store %arg7[%swap3A_43, %swap3A_44], %broadcast_in_dim3A_42 {strides = array<i32>} : memref<64x768xf32, #tpu.memory_space<vmem>>, vector<64x768xf32>,
    } else {
    }
    %get3A_31 = arith.constant 0 : index
    %get3A_32 = arith.constant 0 : index
    %get3A_33 = vector.load %arg7[%get3A_31, %get3A_32] : memref<64x768xf32, #tpu.memory_space<vmem>>, vector<64x768xf32>
    %get3A_34 = arith.constant 0 : index
    %get3A_35 = arith.constant 0 : index
    %get3A_36 = vector.load %arg5[%get3A_34, %get3A_35] : memref<1000x64xf32, #tpu.memory_space<vmem>>, vector<1000x64xf32>
    %dot_general3A = arith.constant dense<0.000000e+00> : vector<64x768xf32>
    %dot_general3A_37 = tpu.matmul %get3A_36, %add3A_26, %dot_general3A {dimension_numbers = #tpu.dot_dimension_numbers<[0], [0], [1], [1], [0, 1, 1, 1], [], []>, transpose_lhs_hint = false} : vector<1000x64xf32>, vector<1000x768xf32>, vector<64x768xf32> -> vector<64x768xf32>
    %add3A_38 = arith.addf %get3A_33, %dot_general3A_37 : vector<64x768xf32>
    %swap3A_39 = arith.constant 0 : index
    %swap3A_40 = arith.constant 0 : index
    %swap3A_41 = vector.load %arg7[%swap3A_39, %swap3A_40] : memref<64x768xf32, #tpu.memory_space<vmem>>, vector<64x768xf32>
    tpu.vector_store %arg7[%swap3A_39, %swap3A_40], %add3A_38 {strides = array<i32>} : memref<64x768xf32, #tpu.memory_space<vmem>>, vector<64x768xf32>,
    return
  }
  func.func @transform_0(%arg0: i32) -> (i32, i32) {
    %c0_i32 = arith.constant 0 : i32
    %c0_i32_0 = arith.constant 0 : i32
    return %arg0, %c0_i32 : i32, i32
  }
  func.func @transform_1(%arg0: i32) -> (i32, i32) {
    %c0_i32 = arith.constant 0 : i32
    %c0_i32_0 = arith.constant 0 : i32
    %c0_i32_1 = arith.constant 0 : i32
    return %c0_i32, %c0_i32_0 : i32, i32
  }
  func.func @transform_2(%arg0: i32) -> (i32, i32) {
    %c0_i32 = arith.constant 0 : i32
    %c0_i32_0 = arith.constant 0 : i32
    %c0_i32_1 = arith.constant 0 : i32
    return %c0_i32, %c0_i32_0 : i32, i32
  }
  func.func @transform_3(%arg0: i32) -> (i32, i32) {
    %c0_i32 = arith.constant 0 : i32
    %c0_i32_0 = arith.constant 0 : i32
    %c0_i32_1 = arith.constant 0 : i32
    return %c0_i32, %c0_i32_0 : i32, i32
  }
  func.func @transform_4(%arg0: i32) -> (i32, i32) {
    %c0_i32 = arith.constant 0 : i32
    %c0_i32_0 = arith.constant 0 : i32
    return %arg0, %c0_i32 : i32, i32
  }
  func.func @transform_5(%arg0: i32) -> (i32, i32) {
    %c0_i32 = arith.constant 0 : i32
    %c0_i32_0 = arith.constant 0 : i32
    return %arg0, %c0_i32 : i32, i32
  }
  func.func @transform_6(%arg0: i32) -> (i32, i32) {
    %c0_i32 = arith.constant 0 : i32
    %c0_i32_0 = arith.constant 0 : i32
    %c0_i32_1 = arith.constant 0 : i32
    return %c0_i32, %c0_i32_0 : i32, i32
  }
}

</mosaic_0001>

<sc_bundles>
// kernel: kernel.5.cloned.1.call-start
scs
__scs_entry_jumppad:
0x0: {  	(pc) =	sbr.rel $0x88, $3  }
0x1: {  	(tag) =	ssettag $0x0;
	lr =	simm.s32 $0x1  }
0x2: {  	[smem:$0x3F8C] =	sst lr;
	_ =	strace $0xD0000000  }
0x3: {  	_ = 	snop  }
0x4: {  	_ = 	snop  }
0x5: {  	_ = 	snop  }
0x6: {  	_ = 	snop  }
0x7: {  	_ = 	snop  }
__scs_overlays_trampoline_lowered:
0x8: {  	[smem:$0x3F9B] =	sst s0  }
0x9: {  	[smem:$0x3F9C] =	sst s1  }
0xa: {  	[smem:$0x3F9D] =	sst s2  }
0xb: {  	[smem:$0x3F9E] =	sst s3  }
0xc: {  	[smem:$0x3F9F] =	sst s4  }
0xd: {  	[smem:$0x3FA0] =	sst s5  }
0xe: {  	[smem:$0x3FA1] =	sst s6  }
0xf: {  	[smem:$0x3FA2] =	sst s7  }
0x10: {  	[smem:$0x3FA3] =	sst s8  }
0x11: {  	[smem:$0x3FA4] =	sst s9;
	s0 =	simm.s32 @!p0 $0x0  }
0x12: {  	s1 =	sld [smem:$0x3F8A];
	s0 =	simm.s32 @p0 $0x1  }
0x13: {  	[smem:$0x3FA5] =	sst s0;
	s0 =	simm.s32 @!p1 $0x0  }
0x14: {  	s2 =	sld [smem:$0x3F89];
	s0 =	simm.s32 @p1 $0x1  }
0x15: {  	[smem:$0x3FA6] =	sst s0;
	s0 =	simm.s32 @!p2 $0x0  }
0x16: {  	s3 =	sld [smem:$0x3FDB];
	s0 =	simm.s32 @p2 $0x1  }
0x17: {  	s4 =	simm.s32 $0x1BF5;
	[smem:$0x3FA8] =	sst s0  }
0x18: {  	s0 =	sld [smem:$0x3F8B];
	_ =	swait.ge [sflag:s4], $0x0  }
0x19: {  	s7 =	sld [smem:$0x3F8C]  }
0x1a: {  	s8 =	sadd.s32 $0xFFFFE003, lr  }
0x1b: {  	s9 =	sadd.s32 $0xFFFFFEF7, lr;
	s5 =	simm.s32 $0xFFFFFFFF;
	p2 =	slt.u32 s8, $0xFFFFF086  }
0x1c: {  	p1 =	slt.u32 s9, $0xF7A;
	s5 =	simm.s32 @!p2 $0x0  }
0x1d: {  	s5 =	simm.s32 @p1 $0x1;
	p0 =	seq.s32 s7, s2  }
0x1e: {  	s7 =	smul.u32 @!p0 $0xF7A, s2;
	p2 =	seq.s32 @!p0 s5, $0x0  }
0x1f: {  	s9 =	smul.u32 $0xF7A, s1;
	s8 =	simm.s32 @!p0 $0x1BF5;
	p2 =	por !p2, p0  }
0x20: {  	[sflag:s8] =	ssyncset.s32 @!p0 $0xFFFFF086;
	s6 =	sadd.s32 @!p0 s3, s7;
	s7 =	simm.s32 @!p0 $0x108  }
0x21: {  	s3 =	sadd.s32 s3, s9;
	s6 =	sadd.s32 @!p0 $0x88, s6;
	s7 =	simm.s32 @p2 $0x1082  }
0x22: {  	[simem:s7], [sflag:s8] =	dma.local @!p0 [hbm:s6], $0xF7A  }
0x23: {  	s9 =	sor.u32 $0xD0000000, s2;
	s6 =	simm.s32 $0x108;
	_ =	swait.ge @!p0 [sflag:s8], $0x0  }
0x24: {  	s3 =	sadd.s32 $0x88, s3;
	s6 =	simm.s32 @!p1 $0x1082;
	[sflag:s4] =	ssyncset.s32 $0xFFFFF086  }
0x25: {  	[simem:s6], [sflag:s4] =	dma.local [hbm:s3], $0xF7A  }
0x26: {  	[smem:$0x3F8C] =	sst s1;
	(tag) =	ssettag s2;
	_ =	strace s9  }
0x27: {  	s1 =	sld [smem:$0x3F9C]  }
0x28: {  	s2 =	sld [smem:$0x3F9D]  }
0x29: {  	s4 =	sld [smem:$0x3F9F]  }
0x2a: {  	p0 =	seq.s32 s5, $0x0;
	s5 =	sld [smem:$0x3FA0]  }
0x2b: {  	s6 =	sld [smem:$0x3FA1]  }
0x2c: {  	s7 =	sld [smem:$0x3FA2]  }
0x2d: {  	s3 =	simm.s32 $0x108;
	s8 =	sld [smem:$0x3FA3]  }
0x2e: {  	s3 =	simm.s32 @!p0 $0x1082;
	s9 =	sld [smem:$0x3FA4]  }
0x2f: {  	lr =	sadd.s32 s0, s3;
	s0 =	sld [smem:$0x3F9B]  }
0x30: {  	s3 =	sld [smem:$0x3F9E]  }
0x31: {  	[smem:$0x3FA7] =	sst s10  }
0x32: {  	s10 =	sld [smem:$0x3FA5];
	_ =	sdelay $0x3  }
0x33: {  	p0 =	seq.s32 s10, $0x1;
	s10 =	sld [smem:$0x3FA7];
	_ =	sdelay $0x3  }
0x34: {  	[smem:$0x3FA7] =	sst s10  }
0x35: {  	s10 =	sld [smem:$0x3FA6];
	_ =	sdelay $0x3  }
0x36: {  	p1 =	seq.s32 s10, $0x1;
	s10 =	sld [smem:$0x3FA7];
	_ =	sdelay $0x3  }
0x37: {  	[smem:$0x3FA7] =	sst s10  }
0x38: {  	s10 =	sld [smem:$0x3FA8]  }
0x39: {  	_ = 	snop;
	(pc) =	sbr.ind lr, $3  }
0x3a: {  	_ = 	snop  }
0x3b: {  	_ = 	snop  }
0x3c: {  	p2 =	seq.s32 s10, $0x1;
	s10 =	sld [smem:$0x3FA7]  }
0x3d: {  	_ =	shalt  }
0x3e: {  	_ =	shalt  }
0x3f: {  	_ =	shalt  }
0x40: {  	_ =	shalt  }
0x41: {  	_ =	shalt  }
0x42: {  	_ =	shalt  }
0x43: {  	_ =	shalt  }
0x44: {  	_ =	shalt  }
0x45: {  	_ =	shalt  }
0x46: {  	_ =	shalt  }
0x47: {  	_ =	shalt  }
0x48: {  	_ =	shalt  }
0x49: {  	_ =	shalt  }
0x4a: {  	_ =	shalt  }
0x4b: {  	_ =	shalt  }
0x4c: {  	_ =	shalt  }
0x4d: {  	_ =	shalt  }
0x4e: {  	_ =	shalt  }
0x4f: {  	_ =	shalt  }
0x50: {  	_ =	shalt  }
0x51: {  	_ =	shalt  }
0x52: {  	_ =	shalt  }
0x53: {  	_ =	shalt  }
0x54: {  	_ =	shalt  }
0x55: {  	_ =	shalt  }
0x56: {  	_ =	shalt  }
0x57: {  	_ =	shalt  }
0x58: {  	_ =	shalt  }
0x59: {  	_ =	shalt  }
0x5a: {  	_ =	shalt  }
0x5b: {  	_ =	shalt  }
0x5c: {  	_ =	shalt  }
0x5d: {  	_ =	shalt  }
0x5e: {  	_ =	shalt  }
0x5f: {  	_ =	shalt  }
0x60: {  	_ =	shalt  }
0x61: {  	_ =	shalt  }
0x62: {  	_ =	shalt  }
0x63: {  	_ =	shalt  }
0x64: {  	_ =	shalt  }
0x65: {  	_ =	shalt  }
0x66: {  	_ =	shalt  }
0x67: {  	_ =	shalt  }
0x68: {  	_ =	shalt  }
0x69: {  	_ =	shalt  }
0x6a: {  	_ =	shalt  }
0x6b: {  	_ =	shalt  }
0x6c: {  	_ =	shalt  }
0x6d: {  	_ =	shalt  }
0x6e: {  	_ =	shalt  }
0x6f: {  	_ =	shalt  }
0x70: {  	_ =	shalt  }
0x71: {  	_ =	shalt  }
0x72: {  	_ =	shalt  }
0x73: {  	_ =	shalt  }
0x74: {  	_ =	shalt  }
0x75: {  	_ =	shalt  }
0x76: {  	_ =	shalt  }
0x77: {  	_ =	shalt  }
0x78: {  	_ =	shalt  }
0x79: {  	_ =	shalt  }
0x7a: {  	_ =	shalt  }
0x7b: {  	_ =	shalt  }
0x7c: {  	_ =	shalt  }
0x7d: {  	_ =	shalt  }
0x7e: {  	_ =	shalt  }
0x7f: {  	_ =	shalt  }
0x80: {  	_ =	shalt  }
0x81: {  	_ =	shalt  }
0x82: {  	_ =	shalt  }
0x83: {  	_ =	shalt  }
0x84: {  	_ =	shalt  }
0x85: {  	_ =	shalt  }
0x86: {  	_ =	shalt  }
0x87: {  	_ =	shalt  }
.Lfunc_end0:
.L_simem_size_0:
called_computation_lowered:
.L_overlay_start_0:
0x88: {  	s2 =	sld [smem:$0x3FD9]  }
0x89: {  	s3 =	sld [smem:$0x3FFE];
	_ =	sdelay $0x1  }
0x8a: {  	s1 =	srdreg.scid  }
0x8b: {  	s0 =	sand.u32 $0x1, s1  }
0x8c: {  	s14 =	sshll.u32 s0, $0xA;
	s2 =	sadd.s32 s3, s2  }
0x8d: {  	s2 =	sadd.s32 s2, s14  }
0x8e: {  	[smem:$0x3FB3] =	sst s2  }
0x8f: {  	_ = 	snop  }
0x90: {  	s2 =	sld [smem:$0x3FD0];
	_ =	sdelay $0x2  }
0x91: {  	s15 =	simm.s32 $0xA;
	s4 =	simm.s32 $0x10  }
0x92: {  	[smem:s4], [sflag:s15] =	dma.local [hbm:s2], $0x1  }
0x93: {  	_ =	swait.eq [sflag:s15], $0x1  }
0x94: {  	[sflag:s15] =	ssyncset.done $0x0  }
0x95: {  	[sflag:s15] =	ssyncadd.s32 $0xFFFFFFFF  }
0x96: {  	s16 =	sld [smem:$0x10];
	(tm) =	ssettm $0x1  }
0x97: {  	s17 =	sld [smem:$0x3FFB];
	_ =	sdelay $0x3  }
0x98: {  	_ =	strace s17  }
0x99: {  	s3 =	sld [smem:$0x3FFC];
	_ =	sdelay $0x3  }
0x9a: {  	_ =	strace s3  }
0x9b: {  	s3 =	sld [smem:$0x3FFD];
	_ =	sdelay $0x3  }
0x9c: {  	_ =	strace s3  }
0x9d: {  	_ =	strace $0x8FFFFFFF  }
0x9e: {  	s18 =	sld [smem:$0x3FDB];
	_ =	sdelay $0x1  }
0x9f: {  	s19 =	simm.s32 $_scs_section_size  }
0xa0: {  	s5 =	simm.s32 $_size__tile_overlayer_lowered;
	s6 =	simm.s32 $_tile_overlayer_lowered  }
0xa1: {  	s22 =	simm.s32 $0x1BFF;
	s21 =	sshll.u32 s6, $0x1;
	s3 =	sadd.s32 s19, s18  }
0xa2: {  	s7 =	simm.s32 $0x0;
	s20 =	sshll.u32 s5, $0x1;
	s5 =	sadd.s32 s21, s3  }
0xa3: {  	[timem:s7], [sflag:s22] =	dma.local [hbm:s5], s20  }
0xa4: {  	_ =	swait.ge [sflag:s22], s20  }
0xa5: {  	s4 =	ssub.s32 $0x0, s20;
	[sflag:s22] =	ssyncset.done $0x0  }
0xa6: {  	[sflag:s22] =	ssyncadd.s32 s4;
	_ =	sdelay $0x1  }
0xa7: {  	s23 =	simm.s32 $0x1B8B  }
0xa8: {  	_ =	swait.ge [sflag:s23], $0x1  }
0xa9: {  	[sflag:s23] =	ssyncset.done $0x0  }
0xaa: {  	s25 =	simm.s32 $0x1B8E;
	s24 =	sld [smem:$0x3FFE];
	[sflag:s23] =	ssyncadd.s32 $0xFFFFFFFF  }
0xab: {  	s26 =	simm.s32 $execute0_lowered;
	[smem:$0x3FD2] =	sst s25  }
0xac: {  	s5 =	sshll.u32 s26, $0x1;
	_ =	strace $0x80000046;
	[dreg:$0x1] =	wrdreg $0xFFFFFFFF  }
0xad: {  	s28 =	simm.s32 $_size_execute0_lowered;
	s3 =	sadd.s32 s3, s5;
	[dreg:$0x0] =	wrdreg $0x0  }
0xae: {  	s5 =	sshll.u32 s28, $0x1;
	[dreg:$0x2] =	wrdreg s3  }
0xaf: {  	[dreg:$0x3] =	wrdreg s5  }
0xb0: {  	[dreg:$0x4] =	wrdreg $0xC0  }
0xb1: {  	_ =	task [dreg:s7], $0x5FFFF  }
0xb2: {  	[dreg:$0x1] =	wrdreg $0xFFFFFFFF  }
0xb3: {  	[dreg:$0x0] =	wrdreg $0x60  }
0xb4: {  	[dreg:$0x2] =	wrdreg s24  }
0xb5: {  	[dreg:$0x3] =	wrdreg s16  }
0xb6: {  	[dreg:$0x4] =	wrdreg $0x0  }
0xb7: {  	[dreg:$0x5] =	wrdreg $0x9  }
0xb8: {  	_ =	task.clear_ibuf [dreg:s7], $0x6FFFF;
	_ =	strace $0x90000046  }
0xb9: {  	s29 =	simm.s32 $0x9;
	_ =	strace $0x80000048  }
0xba: {  	_ =	swait.ge [sflag:s29], $0x1  }
0xbb: {  	[sflag:s29] =	ssyncadd.s32 $0xFFFFFFFF  }
0xbc: {  	_ =	strace $0x90000048  }
0xbd: {  	_ =	sfence  }
0xbe: {  	s30 =	sld [smem:$0x0];
	_ =	sdelay $0x2  }
0xbf: {  	s31 =	sshll.u32 s1, $0xD;
	s1 =	sshrl.u32 s1, $0x2  }
0xc0: {  	s3 =	sand.u32 $0x4000, s31;
	s1 =	sadd.s32 s1, s30  }
0xc1: {  	s0 =	sor.u32 s3, s0;
	s1 =	sshll.u32 s1, $0x11  }
0xc2: {  	s0 =	sor.u32 s1, s0  }
0xc3: {  	s0 =	sadd.s32 $0x8F2B, s0  }
0xc4: {  	[sflag:s0] =	ssyncadd.remote.s32 $0x1  }
0xc5: {  	_ =	sfence.sel $0xFFFF  }
0xc6: {  	[dreg:$0x0] =	wrdreg $0xFFFFFFFF;
	(pc) =	sbr.abs _section_cstart, $3  }
0xc7: {  	[dreg:$0x1] =	wrdreg $0xFFFFFFFF  }
0xc8: {  	_ =	task.clear_ibuf [dreg:s7], $0x2FFFF;
	_ =	strace $0x9FFFFFFF  }
0xc9: {  	(tm) =	ssettm $0x7FFFFFFF  }
tec
execute0_lowered:
.L_overlay_start_1:
0x0: {  	(tag) =	ssettag $0x1  }
0x1: {  	s0 =	rddreg [dreg:$0x0]  }
0x2: {  	s1 =	rddreg [dreg:$0x1]  }
0x3: {  	s2 =	rddreg [dreg:$0x2];
	s3 =	simm.s32 $0x0  }
0x4: {  	s13 =	stileid.u32;
	s5 =	srdreg.scid;
	s18 =	simm.s32 $0x4  }
0x5: {  	s19 =	simm.s32 $0x14000;
	s29 =	simm.s32 $0x10;
	s31 =	simm.s32 $0x18300  }
0x6: {  	[smem:$0x7FF] =	sst s3;
	s7 =	smul.u32 $0x14000, s13;
	s4 =	sadd.s32 $0xD200, s0  }
0x7: {  	s15 =	sadd.s32 $0x8200, s0;
	s28 =	sand.u32 $0x1, s5;
	s20 =	smul.u32 $0x50000, s13  }
0x8: {  	s16 =	sadd.s32 $0x3200, s0;
	s9 =	smul.u32 $0x2710, s13;
	s23 =	sshll.u32 s13, $0x6  }
0x9: {  	s26 =	smul.u32 $0x4E2, s13;
	_ =	strace $0x80000047;
	s21 =	ssub.s32 $0x2, s28  }
0xa: {  	s22 =	smul.u32 $0x140000, s28;
	s6 =	sshrl.u32 s7, $0x3;
	s8 =	sshrl.u32 s21, $0x1  }
0xb: {  	s5 =	sshrl.u32 s20, $0x2;
	s12 =	sshrl.u32 s9, $0x3;
	s30 =	sadd.s32 s26, s16  }
0xc: {  	s20 =	simm.s32 $0x14100;
	s0 =	sadd.s32 s6, s0;
	s11 =	ssub.s32 s21, s8  }
0xd: {  	s17 =	sadd.s32 s5, s2;
	s6 =	sor.u32 $0x1C04, s23;
	s24 =	sadd.s32 $0x4E0, s12  }
0xe: {  	s25 =	sadd.s32 s7, s22;
	s7 =	sadd.s32 s15, s12;
	s12 =	sadd.s32 s16, s12  }
0xf: {  	s21 =	simm.s32 $0x80;
	s22 =	simm.s32 $0x14080;
	s23 =	simm.s32 $0x14180  }
0x10: {  	s0 =	sadd.s32 $0x5B400, s0;
	s8 =	sadd.s32 s15, s24;
	s10 =	sshrl.u32 s25, $0x3  }
0x11: {  	s9 =	sadd.s32 s16, s24;
	s11 =	smax.u32 s11, $0x1;
	s13 =	sadd.s32 $0x10, s7  }
0x12: {  	s14 =	sadd.s32 $0x4D0, s12;
	s17 =	sshrl.u32 s17, $0x3;
	s24 =	simm.s32 $0x1  }
0x13: {  	s25 =	simm.s32 $0x2;
	[dreg:$0x4] =	wrdreg s0;
	s10 =	sadd.s32 s1, s10  }
0x14: {  	s0 =	sadd.s32 s26, s15;
	s15 =	sadd.s32 $0x10, s30;
	s26 =	simm.s32 $0x3  }
0x15: {  	v0 =	vmov s28;
	s1 =	simm.s32 $0x0;
	s16 =	sadd.s32 $0x20, s0;
	s0 =	simm.s32 $0x18280  }
.LBB2_1:
0x16: {  	s5 =	rddreg [dreg:$0x4]  }
0x17: {  	[spmem:s17], [sflag:s6] =	dma.local [hbm:s5], $0x2800  }
0x18: {  	_ =	swait.ge [sflag:s18], $0x2800  }
0x19: {  	[sflag:s18] =	ssyncset.done $0x0  }
0x1a: {  	[sflag:s18] =	ssyncadd.s32 $0xFFFFD800  }
0x1b: {  	[bflag:$0x0] =	sbarrier.arrive $0xFFFF  }
0x1c: {  	[tilespmem:s19], [sflag:$0x4] =	stream.linear.gather [hbm4b:s7+s3], $0x80, $0x38;
	[tilespmem:$0x18B00] =	vst v63  }
0x1d: {  	_ =	swait.ge [sflag:s18], $0x80  }
0x1e: {  	[sflag:s18] =	ssyncset.done $0x0  }
0x1f: {  	[sflag:s18] =	ssyncadd.s32 $0xFFFFFF80  }
0x20: {  	[tilespmem:s20], [sflag:$0x2] =	stream.linear.gather [hbm4b:s12+s3], $0x80, $0x38;
	[tilespmem:$0x18B00] =	vst v63  }
0x21: {  	v1 =	vld [tilespmem:$0x14000]  }
0x22: {  	v2 =	vld [tilespmem:$0x14010]  }
0x23: {  	v3 =	vld [tilespmem:$0x14020]  }
0x24: {  	v4 =	vld [tilespmem:$0x14030]  }
0x25: {  	v5 =	vld [tilespmem:$0x14040]  }
0x26: {  	v6 =	vld [tilespmem:$0x14050];
	v1 =	vshll.u32 v1, $0x1  }
0x27: {  	v7 =	vld [tilespmem:$0x14060];
	v2 =	vshll.u32 v2, $0x1;
	v1 =	vor.u32 v0, v1  }
0x28: {  	[tilespmem:$0x14080] =	vst v1;
	v1 =	vor.u32 v0, v2;
	v2 =	vshll.u32 v3, $0x1;
	v3 =	vld [tilespmem:$0x14070]  }
0x29: {  	[tilespmem:$0x14090] =	vst v1;
	v1 =	vor.u32 v0, v2;
	v2 =	vshll.u32 v4, $0x1  }
0x2a: {  	[tilespmem:$0x140A0] =	vst v1;
	v1 =	vor.u32 v0, v2;
	v2 =	vshll.u32 v5, $0x1  }
0x2b: {  	[tilespmem:$0x140B0] =	vst v1;
	v1 =	vor.u32 v0, v2;
	v2 =	vshll.u32 v6, $0x1  }
0x2c: {  	[tilespmem:$0x140C0] =	vst v1;
	v1 =	vor.u32 v0, v2;
	v2 =	vshll.u32 v7, $0x1  }
0x2d: {  	[tilespmem:$0x140D0] =	vst v1;
	v1 =	vor.u32 v0, v2;
	v2 =	vshll.u32 v3, $0x1  }
0x2e: {  	[tilespmem:$0x140E0] =	vst v1;
	v1 =	vor.u32 v0, v2  }
0x2f: {  	[tilespmem:$0x140F0] =	vst v1  }
0x30: {  	[tilespmem:s19], [sflag:$0x3] =	stream.linear.gather [hbm4b:s13+s3], $0x80, $0x38;
	[tilespmem:$0x18B00] =	vst v63  }
0x31: {  	_ = 	snop  }
0x32: {  	[tilespmem:s23], [sflag:$0x1] =	stream.indirect.gather [hbm4b:s4+s21], $0x80, s22, s21, $0xb8;
	[tilespmem:$0x18B00] =	vst v63  }
0x33: {  	_ =	swait.ge [sflag:s24], $0x4000  }
0x34: {  	[sflag:s24] =	ssyncset.done $0x0  }
0x35: {  	[sflag:s24] =	ssyncadd.s32 $0xFFFFC000  }
0x36: {  	_ =	swait.ge [sflag:s25], $0x80  }
0x37: {  	[sflag:s25] =	ssyncset.done $0x0  }
0x38: {  	[sflag:s25] =	ssyncadd.s32 $0xFFFFFF80  }
0x39: {  	[spmem:s2] =	stream.indirect.scatter.add.f32 [tilespmem:s23], [sflag:$0x4], $0x80, s20, s21, $0xb8;
	[tilespmem:$0x18B00] =	vst v63  }
0x3a: {  	_ =	swait.ge [sflag:s18], $0x4000  }
0x3b: {  	[sflag:s18] =	ssyncset.done $0x0  }
0x3c: {  	[sflag:s18] =	ssyncadd.s32 $0xFFFFC000  }
0x3d: {  	_ =	swait.ge [sflag:s26], $0x80  }
0x3e: {  	[sflag:s26] =	ssyncset.done $0x0  }
0x3f: {  	s28 =	sadd.s32 $0x0, s15;
	[sflag:s26] =	ssyncadd.s32 $0xFFFFFF80  }
0x40: {  	[tilespmem:s20], [sflag:$0x2] =	stream.linear.gather [hbm4b:s28+s3], $0x80, $0x38;
	[tilespmem:$0x18B00] =	vst v63  }
0x41: {  	v1 =	vld [tilespmem:$0x14070]  }
0x42: {  	v2 =	vld [tilespmem:$0x14060]  }
0x43: {  	v3 =	vld [tilespmem:$0x14050]  }
0x44: {  	v60 =	vld [tilespmem:$0x14030]  }
0x45: {  	v61 =	vld [tilespmem:$0x14020]  }
0x46: {  	v62 =	vld [tilespmem:$0x14010];
	v1 =	vshll.u32 v1, $0x1  }
0x47: {  	v63 =	vld [tilespmem:$0x14040];
	v2 =	vshll.u32 v2, $0x1;
	v1 =	vor.u32 v0, v1  }
0x48: {  	v8 =	vld [tilespmem:$0x14000];
	v3 =	vshll.u32 v3, $0x1;
	v2 =	vor.u32 v0, v2;
	[tilespmem:$0x140F0] =	vst v1  }
0x49: {  	v3 =	vor.u32 v0, v3;
	v1 =	vshll.u32 v60, $0x1;
	[tilespmem:$0x140E0] =	vst v2  }
0x4a: {  	v2 =	vshll.u32 v61, $0x1;
	[tilespmem:$0x140D0] =	vst v3;
	v1 =	vor.u32 v0, v1  }
0x4b: {  	v3 =	vshll.u32 v62, $0x1;
	v2 =	vor.u32 v0, v2;
	[tilespmem:$0x140B0] =	vst v1  }
0x4c: {  	v1 =	vor.u32 v0, v3;
	[tilespmem:$0x140A0] =	vst v2;
	v2 =	vshll.u32 v63, $0x1  }
0x4d: {  	v3 =	vshll.u32 v8, $0x1;
	[tilespmem:$0x14090] =	vst v1;
	v1 =	vor.u32 v0, v2  }
0x4e: {  	v2 =	vor.u32 v0, v3;
	[tilespmem:$0x140C0] =	vst v1  }
0x4f: {  	s28 =	sadd.s32 $0x0, s16;
	[tilespmem:$0x14080] =	vst v2  }
0x50: {  	[tilespmem:s19], [sflag:$0x3] =	stream.linear.gather [hbm4b:s28+s3], $0x80, $0x38;
	[tilespmem:$0x18B00] =	vst v63  }
0x51: {  	_ = 	snop  }
0x52: {  	[tilespmem:s23], [sflag:$0x1] =	stream.indirect.gather [hbm4b:s4+s21], $0x80, s22, s21, $0xb8;
	[tilespmem:$0x18B00] =	vst v63  }
0x53: {  	_ =	swait.ge [sflag:s24], $0x4000  }
0x54: {  	s28 =	simm.s32 $0x10;
	[sflag:s24] =	ssyncset.done $0x0  }
.LBB2_2:
0x55: {  	p0 =	sne.s32 s28, $0x4B0  }
0x56: {  	[sflag:s24] =	ssyncadd.s32 $0xFFFFC000;
	s30 =	smov.u32 s28;
	s28 =	sadd.s32 $0x10, s28  }
0x57: {  	_ =	swait.ge [sflag:s25], $0x80  }
0x58: {  	[sflag:s25] =	ssyncset.done $0x0  }
0x59: {  	[sflag:s25] =	ssyncadd.s32 $0xFFFFFF80  }
0x5a: {  	[spmem:s2] =	stream.indirect.scatter.add.f32 [tilespmem:s23], [sflag:$0x4], $0x80, s20, s21, $0xb8;
	[tilespmem:$0x18B00] =	vst v63  }
0x5b: {  	_ =	swait.ge [sflag:s18], $0x4000  }
0x5c: {  	[sflag:s18] =	ssyncset.done $0x0  }
0x5d: {  	[sflag:s18] =	ssyncadd.s32 $0xFFFFC000;
	_ =	sdelay $0x1  }
0x5e: {  	_ =	swait.ge [sflag:s26], $0x80  }
0x5f: {  	[sflag:s26] =	ssyncset.done $0x0  }
0x60: {  	s5 =	sadd.s32 s30, s15;
	[sflag:s26] =	ssyncadd.s32 $0xFFFFFF80  }
0x61: {  	[tilespmem:s20], [sflag:$0x2] =	stream.linear.gather [hbm4b:s5+s3], $0x80, $0x38;
	[tilespmem:$0x18B00] =	vst v63  }
0x62: {  	v1 =	vld [tilespmem:$0x14070]  }
0x63: {  	v2 =	vld [tilespmem:$0x14060]  }
0x64: {  	v3 =	vld [tilespmem:$0x14050]  }
0x65: {  	v4 =	vld [tilespmem:$0x14030]  }
0x66: {  	v5 =	vld [tilespmem:$0x14020]  }
0x67: {  	v6 =	vld [tilespmem:$0x14010];
	v1 =	vshll.u32 v1, $0x1  }
0x68: {  	v7 =	vld [tilespmem:$0x14040];
	v2 =	vshll.u32 v2, $0x1;
	v1 =	vor.u32 v0, v1  }
0x69: {  	v8 =	vld [tilespmem:$0x14000];
	v3 =	vshll.u32 v3, $0x1;
	v2 =	vor.u32 v0, v2;
	[tilespmem:$0x140F0] =	vst v1  }
0x6a: {  	v1 =	vshll.u32 v4, $0x1;
	v3 =	vor.u32 v0, v3;
	[tilespmem:$0x140E0] =	vst v2  }
0x6b: {  	v2 =	vshll.u32 v5, $0x1;
	v1 =	vor.u32 v0, v1;
	[tilespmem:$0x140D0] =	vst v3  }
0x6c: {  	v3 =	vshll.u32 v6, $0x1;
	v2 =	vor.u32 v0, v2;
	[tilespmem:$0x140B0] =	vst v1  }
0x6d: {  	v1 =	vor.u32 v0, v3;
	[tilespmem:$0x140A0] =	vst v2;
	v2 =	vshll.u32 v7, $0x1  }
0x6e: {  	v3 =	vshll.u32 v8, $0x1;
	[tilespmem:$0x14090] =	vst v1;
	v1 =	vor.u32 v0, v2  }
0x6f: {  	v2 =	vor.u32 v0, v3;
	[tilespmem:$0x140C0] =	vst v1  }
0x70: {  	s5 =	sadd.s32 s30, s16;
	[tilespmem:$0x14080] =	vst v2  }
0x71: {  	[tilespmem:s19], [sflag:$0x3] =	stream.linear.gather [hbm4b:s5+s3], $0x80, $0x38;
	[tilespmem:$0x18B00] =	vst v63  }
.Ltmp0:
0x72: {  	_ = 	snop;
	(pc) =	sbr.rel @p0 .LBB2_2-.Ltmp0, $4  }
0x73: {  	_ = 	snop  }
0x74: {  	[tilespmem:s23], [sflag:$0x1] =	stream.indirect.gather [hbm4b:s4+s21], $0x80, s22, s21, $0xb8;
	[tilespmem:$0x18B00] =	vst v63  }
0x75: {  	_ =	swait.ge [sflag:s24], $0x4000  }
0x76: {  	[sflag:s24] =	ssyncset.done $0x0  }
0x77: {  	[sflag:s24] =	ssyncadd.s32 $0xFFFFC000  }
0x78: {  	_ =	swait.ge [sflag:s25], $0x80  }
0x79: {  	[sflag:s25] =	ssyncset.done $0x0  }
0x7a: {  	[sflag:s25] =	ssyncadd.s32 $0xFFFFFF80  }
0x7b: {  	[spmem:s2] =	stream.indirect.scatter.add.f32 [tilespmem:s23], [sflag:$0x4], $0x80, s20, s21, $0xb8;
	[tilespmem:$0x18B00] =	vst v63  }
0x7c: {  	_ =	swait.ge [sflag:s18], $0x4000  }
0x7d: {  	[sflag:s18] =	ssyncset.done $0x0  }
0x7e: {  	[sflag:s18] =	ssyncadd.s32 $0xFFFFC000  }
0x7f: {  	_ =	swait.ge [sflag:s26], $0x80  }
0x80: {  	[sflag:s26] =	ssyncset.done $0x0  }
0x81: {  	[sflag:s26] =	ssyncadd.s32 $0xFFFFFF80  }
0x82: {  	[tilespmem:s20], [sflag:$0x2] =	stream.linear.gather [hbm4b:s14+s3], $0x80, $0x38;
	[tilespmem:$0x18B00] =	vst v63  }
0x83: {  	v1 =	vld [tilespmem:$0x14000]  }
0x84: {  	v2 =	vld [tilespmem:$0x14010]  }
0x85: {  	v3 =	vld [tilespmem:$0x14020]  }
0x86: {  	v4 =	vld [tilespmem:$0x14030]  }
0x87: {  	v5 =	vld [tilespmem:$0x14040]  }
0x88: {  	v6 =	vld [tilespmem:$0x14050];
	v1 =	vshll.u32 v1, $0x1  }
0x89: {  	v7 =	vld [tilespmem:$0x14060];
	v2 =	vshll.u32 v2, $0x1;
	v1 =	vor.u32 v0, v1  }
0x8a: {  	[tilespmem:$0x14080] =	vst v1;
	v1 =	vor.u32 v0, v2;
	v2 =	vshll.u32 v3, $0x1;
	v3 =	vld [tilespmem:$0x14070]  }
0x8b: {  	[tilespmem:$0x14090] =	vst v1;
	v1 =	vor.u32 v0, v2;
	v2 =	vshll.u32 v4, $0x1  }
0x8c: {  	[tilespmem:$0x140A0] =	vst v1;
	v1 =	vor.u32 v0, v2;
	v2 =	vshll.u32 v5, $0x1  }
0x8d: {  	[tilespmem:$0x140B0] =	vst v1;
	v1 =	vor.u32 v0, v2;
	v2 =	vshll.u32 v6, $0x1  }
0x8e: {  	[tilespmem:$0x140C0] =	vst v1;
	v1 =	vor.u32 v0, v2;
	v2 =	vshll.u32 v7, $0x1  }
0x8f: {  	[tilespmem:$0x140D0] =	vst v1;
	v1 =	vor.u32 v0, v2;
	v2 =	vshll.u32 v3, $0x1  }
0x90: {  	[tilespmem:$0x140E0] =	vst v1;
	v1 =	vor.u32 v0, v2  }
0x91: {  	[tilespmem:$0x140F0] =	vst v1  }
0x92: {  	[tilespmem:s23], [sflag:$0x1] =	stream.indirect.gather [hbm4b:s4+s21], $0x80, s22, s21, $0xb8;
	[tilespmem:$0x18B00] =	vst v63  }
0x93: {  	_ =	swait.ge [sflag:s24], $0x4000  }
0x94: {  	[sflag:s24] =	ssyncset.done $0x0  }
0x95: {  	[sflag:s24] =	ssyncadd.s32 $0xFFFFC000  }
0x96: {  	_ =	swait.ge [sflag:s25], $0x80  }
0x97: {  	[sflag:s25] =	ssyncset.done $0x0  }
0x98: {  	[sflag:s25] =	ssyncadd.s32 $0xFFFFFF80  }
0x99: {  	[spmem:s2] =	stream.indirect.scatter.add.f32 [tilespmem:s23], [sflag:$0x4], $0x80, s20, s21, $0xb8;
	[tilespmem:$0x18B00] =	vst v63  }
0x9a: {  	_ =	swait.ge [sflag:s18], $0x4000  }
0x9b: {  	[sflag:s18] =	ssyncset.done $0x0  }
0x9c: {  	s5 =	simm.s32 $0x18180;
	[sflag:s18] =	ssyncadd.s32 $0xFFFFC000  }
0x9d: {  	[tilespmem:s5], [sflag:$0x4] =	stream.linear.gather [hbm4b:s8+s3], $0x10, $0x38;
	[tilespmem:$0x18B00] =	vst v63  }
0x9e: {  	_ =	swait.ge [sflag:s18], $0x10  }
0x9f: {  	[sflag:s18] =	ssyncset.done $0x0  }
0xa0: {  	[sflag:s18] =	ssyncadd.s32 $0xFFFFFFF0  }
0xa1: {  	v1 =	vld [tilespmem:$0x18180];
	_ =	sdelay $0x4  }
0xa2: {  	v1 =	vshll.u32 v1, $0x1  }
0xa3: {  	v1 =	vor.u32 v0, v1  }
0xa4: {  	s30 =	simm.s32 $0x18200;
	[tilespmem:$0x18200] =	vst v1  }
0xa5: {  	[tilespmem:s31], [sflag:$0x1] =	stream.indirect.gather [hbm4b:s4+s29], $0x80, s30, s29, $0xb8;
	[tilespmem:$0x18B00] =	vst v63  }
0xa6: {  	_ =	swait.ge [sflag:s24], $0x800  }
0xa7: {  	[sflag:s24] =	ssyncset.done $0x0  }
0xa8: {  	[sflag:s24] =	ssyncadd.s32 $0xFFFFF800  }
0xa9: {  	[tilespmem:s0], [sflag:$0x4] =	stream.linear.gather [hbm4b:s9+s3], $0x10, $0x38;
	[tilespmem:$0x18B00] =	vst v63  }
0xaa: {  	_ =	swait.ge [sflag:s18], $0x10  }
0xab: {  	[sflag:s18] =	ssyncset.done $0x0  }
0xac: {  	[sflag:s18] =	ssyncadd.s32 $0xFFFFFFF0  }
0xad: {  	[spmem:s2] =	stream.indirect.scatter.add.f32 [tilespmem:s31], [sflag:$0x4], $0x80, s0, s29, $0xb8;
	[tilespmem:$0x18B00] =	vst v63  }
0xae: {  	_ =	swait.ge [sflag:s18], $0x800  }
0xaf: {  	s1 =	sadd.s32 $0x1, s1;
	[sflag:s18] =	ssyncset.done $0x0  }
0xb0: {  	p0 =	sne.s32 s1, s11;
	[sflag:s18] =	ssyncadd.s32 $0xFFFFF800  }
.Ltmp1:
0xb1: {  	[bflag:$0x0] =	sbarrier.arrive $0xFFFF;
	(pc) =	sbr.rel @p0 .LBB2_1-.Ltmp1, $4  }
0xb2: {  	[hbm:s10], [sflag:s6] =	dma.local [spmem:s17], $0x2800  }
0xb3: {  	_ =	swait.ge [sflag:s18], $0x2800  }
0xb4: {  	[sflag:s18] =	ssyncset.done $0x0  }
0xb5: {  	[sflag:s18] =	ssyncadd.s32 $0xFFFFD800  }
0xb6: {  	_ =	sfence.sel $0x180000  }
0xb7: {  	[bflag:$0x0] =	sbarrier.arrive $0xFFFF  }
0xb8: {  	_ =	strace $0x90000047  }
0xb9: {  	s0 =	stileid.u32;
	[bflag:$0x2] =	sbarrier.arrive $0xFFFF  }
0xba: {  	p0 =	sne.s32 s0, $0x0;
	s0 =	rddreg [dreg:$0x3]  }
0xbb: {  	s0 =	sadd.s32 @!p0 $0x100000, s0  }
0xbc: {  	[sflag:s0] =	ssyncadd.tile.s32 @!p0 $0x1;
	_ =	shalt  }
.Lfunc_end2:
_tile_overlayer_lowered:
.L_overlay_start_2:
0xbd: {  	(tag) =	ssettag $0x2  }
0xbe: {  	s0 =	rddreg [dreg:$0x0];
	s2 =	stileid.u32  }
0xbf: {  	s1 =	rddreg [dreg:$0x1];
	p0 =	sne.s32 s2, $0x0  }
0xc0: {  	s3 =	rddreg [dreg:$0x2];
	[bflag:$0x3] =	sbarrier.arrive $0xFFFF;
	s2 =	simm.s32 @!p0 $0x1C04  }
0xc1: {  	[timem:s3], [sflag:s2] =	dma.local @!p0 [hbm:s0], s1  }
0xc2: {  	s0 =	simm.s32 @!p0 $0x4  }
0xc3: {  	_ =	swait.ge @!p0 [sflag:s0], s1  }
0xc4: {  	s1 =	ssub.s32 @!p0 $0x0, s1;
	[sflag:s0] =	ssyncset.done @!p0 $0x0  }
0xc5: {  	[sflag:s0] =	ssyncadd.s32 @!p0 s1  }
0xc6: {  	[bflag:$0x3] =	sbarrier.arrive $0xFFFF  }
0xc7: {  	_ =	shalt  }

</sc_bundles>
